<compile_context>
chip_gen: v7x
topology: tpu7x:2x2x1
jax: 0.10.2.dev20260603
libtpu: 0.0.44.dev20260713+nightly
codegen_flags: <defaults>
</compile_context>

<pallas_src>
import functools

import jax
import jax.numpy as jnp
from jax import lax
from jax.experimental import pallas as pl
from jax.experimental.pallas import tpu as pltpu
from jax.experimental.pallas import tpu_sc as plsc

_LANES = 16
_CHUNK = 128
_KDEPTH = 8


def _sc_feature_gather(x, feature_mask):
    B, S, F = x.shape
    K = feature_mask.shape[0]
    R = B * S

    info = plsc.get_sparse_core_info()
    NC, NS = info.num_cores, info.num_subcores
    NW = NC * NS
    RPW = R // NW
    rows_per_chunk = _CHUNK // K
    nchunk = RPW // rows_per_chunk
    ngroup = nchunk // _KDEPTH

    x_flat = x.reshape(R * F)

    @functools.partial(
        pl.kernel,
        out_type=jax.ShapeDtypeStruct((R * K,), jnp.float32),
        mesh=plsc.VectorSubcoreMesh(core_axis_name="c", subcore_axis_name="s"),
        scratch_types=[
            pltpu.VMEM((K,), jnp.int32),
            pltpu.VMEM((nchunk, _CHUNK), jnp.int32),
            pltpu.VMEM((RPW * K,), jnp.float32),
            pltpu.SemaphoreType.DMA,
        ],
    )
    def sc_kernel(x_hbm, mask_hbm, out_hbm, mask_v, idx_v, out_v, sem):
        wid = lax.axis_index("s") * NC + lax.axis_index("c")
        row0 = wid * RPW
        pltpu.sync_copy(mask_hbm, mask_v)

        mvecs = [mask_v[pl.ds(j * _LANES, _LANES)] for j in range(K // _LANES)]

        def group_body(g, carry):
            copies = []
            for i in range(_KDEPTH):
                c = g * _KDEPTH + i
                for rr in range(rows_per_chunk):
                    base = (row0 + c * rows_per_chunk + rr) * F
                    for j in range(K // _LANES):
                        idx_v[c, pl.ds(rr * K + j * _LANES, _LANES)] = (
                            mvecs[j] + base
                        )
                copies.append(
                    pltpu.async_copy(
                        x_hbm.at[idx_v.at[c]],
                        out_v.at[pl.ds(c * _CHUNK, _CHUNK)],
                        sem,
                    )
                )
            for cp in copies:
                cp.wait()
            return carry

        lax.fori_loop(0, ngroup, group_body, 0)
        pltpu.sync_copy(out_v, out_hbm.at[pl.ds(row0 * K, RPW * K)])

    out = sc_kernel(x_flat, feature_mask)
    return out.reshape(B, S, K)


def kernel(x, feature_mask):
    return _sc_feature_gather(x, feature_mask)

# --- scband reference (transcript-rebuilt; emitter-appended) ---
"""Pipeline reference for scband-feature-mask-73272142070001 (READ-ONLY COPY).

The authoritative reference and input builder live on the scoring server;
editing this copy changes nothing except your own understanding.
"""

import jax, jax.numpy as jnp
import numpy as np


def setup_inputs(seed: int = 0) -> dict:
    key = jax.random.key(seed)
    x = jax.random.normal(key, (4, 4096, 4096), dtype=jnp.float32)
    # feature_mask is a constructor-time constant tensor in the torch module;
    # materialize it here as an int index vector (64 indices into the 4096 feature dim)
    feature_mask = jnp.arange(0, 4096, 64, dtype=jnp.int32)
    return {"x": x, "feature_mask": feature_mask}


def reference(x, feature_mask):
    # torch: x[..., self.feature_mask]  -> gather along the last axis
    return jnp.take(x, feature_mask, axis=-1)

if __name__ == "__main__":
    import jax
    _d = setup_inputs()
    print(jax.jit(kernel)(*tuple(_d.values())))

</pallas_src>

<mosaic_0001>
#map = affine_map<(d0, d1) -> (0)>
module attributes {stable_mosaic.version = 14 : i64} {
  func.func @sc_kernel(%arg0: i32, %arg1: i32, %arg2: memref<67108864xf32, #tpu.memory_space<hbm>>, %arg3: memref<64xi32, #tpu.memory_space<hbm>>, %arg4: memref<1048576xf32, #tpu.memory_space<hbm>>, %arg5: memref<64xi32, #tpu.memory_space<vmem>>, %arg6: memref<256x128xi32, #tpu.memory_space<vmem>>, %arg7: memref<32768xf32, #tpu.memory_space<vmem>>, %arg8: memref<!tpu.dma_semaphore, #tpu.memory_space<semaphore_mem>>) attributes {dimension_semantics = [#tpu.dimension_semantics<core_parallel>, #tpu.dimension_semantics<subcore_parallel>], iteration_bounds = array<i64: 2, 16>, scalar_prefetch = 0 : i64, scratch_operands = 4 : i64, tpu.core_type = #tpu.core_type<sc_vector_subcore>, window_params = [{transform_indices = #map}, {transform_indices = #map}, {transform_indices = #map}]} {
    %mul3A = arith.constant 2 : i32
    %mul3A_0 = arith.muli %arg1, %mul3A : i32
    %add3A = arith.addi %mul3A_0, %arg0 : i32
    %mul3A_1 = arith.constant 512 : i32
    %mul3A_2 = arith.muli %add3A, %mul3A_1 : i32
    "tpu.region"() ({
      %run_scoped3A = tpu.sem_alloc : memref<!tpu.dma_semaphore, #tpu.memory_space<semaphore_mem>>
      tpu.enqueue_dma source(%arg3 : memref<64xi32, #tpu.memory_space<hbm>>) target(%arg5 : memref<64xi32, #tpu.memory_space<vmem>>) target_semaphore(%run_scoped3A : memref<!tpu.dma_semaphore, #tpu.memory_space<semaphore_mem>>)
      tpu.wait_dma2 semaphore(%run_scoped3A : memref<!tpu.dma_semaphore, #tpu.memory_space<semaphore_mem>>) src(%arg3 : memref<64xi32, #tpu.memory_space<hbm>>) dst(%arg5 : memref<64xi32, #tpu.memory_space<vmem>>)
      tpu.yield
    }) : () -> ()
    %get3A = arith.constant 0 : index
    %get3A_3 = tpu.vector_load %arg5[%get3A] {strides = array<i32>} : memref<64xi32, #tpu.memory_space<vmem>>, vector<16xi32>,
    %get3A_4 = vector.shape_cast %get3A_3 : vector<16xi32> to vector<16xi32>
    %get3A_5 = arith.constant 16 : index
    %get3A_6 = tpu.vector_load %arg5[%get3A_5] {strides = array<i32>} : memref<64xi32, #tpu.memory_space<vmem>>, vector<16xi32>,
    %get3A_7 = vector.shape_cast %get3A_6 : vector<16xi32> to vector<16xi32>
    %get3A_8 = arith.constant 32 : index
    %get3A_9 = tpu.vector_load %arg5[%get3A_8] {strides = array<i32>} : memref<64xi32, #tpu.memory_space<vmem>>, vector<16xi32>,
    %get3A_10 = vector.shape_cast %get3A_9 : vector<16xi32> to vector<16xi32>
    %get3A_11 = arith.constant 48 : index
    %get3A_12 = tpu.vector_load %arg5[%get3A_11] {strides = array<i32>} : memref<64xi32, #tpu.memory_space<vmem>>, vector<16xi32>,
    %get3A_13 = vector.shape_cast %get3A_12 : vector<16xi32> to vector<16xi32>
    %scan3A = arith.constant 0 : i32
    %scan3A_14 = arith.constant 0 : i32
    %scan3A_15 = arith.constant 32 : i32
    %scan3A_16 = arith.addi %scan3A_14, %scan3A_15 : i32
    %scan3A_17 = arith.constant 1 : i32
    scf.for %scan3A_21 = %scan3A_14 to %scan3A_16 step %scan3A_17  : i32 {
      %mul3A_22 = arith.constant 8 : i32
      %mul3A_23 = arith.muli %scan3A_21, %mul3A_22 : i32
      %add3A_24 = arith.constant 0 : i32
      %add3A_25 = arith.addi %mul3A_23, %add3A_24 : i32
      %mul3A_26 = arith.constant 2 : i32
      %mul3A_27 = arith.muli %add3A_25, %mul3A_26 : i32
      %add3A_28 = arith.addi %mul3A_2, %mul3A_27 : i32
      %add3A_29 = arith.constant 0 : i32
      %add3A_30 = arith.addi %add3A_28, %add3A_29 : i32
      %mul3A_31 = arith.constant 4096 : i32
      %mul3A_32 = arith.muli %add3A_30, %mul3A_31 : i32
      %add3A_33 = vector.broadcast %mul3A_32 : i32 to vector<16xi32>
      %add3A_34 = arith.addi %get3A_4, %add3A_33 : vector<16xi32>
      %swap3A = arith.index_cast %add3A_25 : i32 to index
      %swap3A_35 = arith.constant 0 : index
      %swap3A_36 = tpu.vector_load %arg6[%swap3A, %swap3A_35] {strides = array<i32>} : memref<256x128xi32, #tpu.memory_space<vmem>>, vector<1x16xi32>,
      %swap3A_37 = vector.shape_cast %swap3A_36 : vector<1x16xi32> to vector<16xi32>
      %swap3A_38 = vector.shape_cast %add3A_34 : vector<16xi32> to vector<1x16xi32>
      tpu.vector_store %arg6[%swap3A, %swap3A_35], %swap3A_38 {strides = array<i32>} : memref<256x128xi32, #tpu.memory_space<vmem>>, vector<1x16xi32>,
      %add3A_39 = vector.broadcast %mul3A_32 : i32 to vector<16xi32>
      %add3A_40 = arith.addi %get3A_7, %add3A_39 : vector<16xi32>
      %swap3A_41 = arith.index_cast %add3A_25 : i32 to index
      %swap3A_42 = arith.constant 16 : index
      %swap3A_43 = tpu.vector_load %arg6[%swap3A_41, %swap3A_42] {strides = array<i32>} : memref<256x128xi32, #tpu.memory_space<vmem>>, vector<1x16xi32>,
      %swap3A_44 = vector.shape_cast %swap3A_43 : vector<1x16xi32> to vector<16xi32>
      %swap3A_45 = vector.shape_cast %add3A_40 : vector<16xi32> to vector<1x16xi32>
      tpu.vector_store %arg6[%swap3A_41, %swap3A_42], %swap3A_45 {strides = array<i32>} : memref<256x128xi32, #tpu.memory_space<vmem>>, vector<1x16xi32>,
      %add3A_46 = vector.broadcast %mul3A_32 : i32 to vector<16xi32>
      %add3A_47 = arith.addi %get3A_10, %add3A_46 : vector<16xi32>
      %swap3A_48 = arith.index_cast %add3A_25 : i32 to index
      %swap3A_49 = arith.constant 32 : index
      %swap3A_50 = tpu.vector_load %arg6[%swap3A_48, %swap3A_49] {strides = array<i32>} : memref<256x128xi32, #tpu.memory_space<vmem>>, vector<1x16xi32>,
      %swap3A_51 = vector.shape_cast %swap3A_50 : vector<1x16xi32> to vector<16xi32>
      %swap3A_52 = vector.shape_cast %add3A_47 : vector<16xi32> to vector<1x16xi32>
      tpu.vector_store %arg6[%swap3A_48, %swap3A_49], %swap3A_52 {strides = array<i32>} : memref<256x128xi32, #tpu.memory_space<vmem>>, vector<1x16xi32>,
      %add3A_53 = vector.broadcast %mul3A_32 : i32 to vector<16xi32>
      %add3A_54 = arith.addi %get3A_13, %add3A_53 : vector<16xi32>
      %swap3A_55 = arith.index_cast %add3A_25 : i32 to index
      %swap3A_56 = arith.constant 48 : index
      %swap3A_57 = tpu.vector_load %arg6[%swap3A_55, %swap3A_56] {strides = array<i32>} : memref<256x128xi32, #tpu.memory_space<vmem>>, vector<1x16xi32>,
      %swap3A_58 = vector.shape_cast %swap3A_57 : vector<1x16xi32> to vector<16xi32>
      %swap3A_59 = vector.shape_cast %add3A_54 : vector<16xi32> to vector<1x16xi32>
      tpu.vector_store %arg6[%swap3A_55, %swap3A_56], %swap3A_59 {strides = array<i32>} : memref<256x128xi32, #tpu.memory_space<vmem>>, vector<1x16xi32>,
      %mul3A_60 = arith.constant 2 : i32
      %mul3A_61 = arith.muli %add3A_25, %mul3A_60 : i32
      %add3A_62 = arith.addi %mul3A_2, %mul3A_61 : i32
      %add3A_63 = arith.constant 1 : i32
      %add3A_64 = arith.addi %add3A_62, %add3A_63 : i32
      %mul3A_65 = arith.constant 4096 : i32
      %mul3A_66 = arith.muli %add3A_64, %mul3A_65 : i32
      %add3A_67 = vector.broadcast %mul3A_66 : i32 to vector<16xi32>
      %add3A_68 = arith.addi %get3A_4, %add3A_67 : vector<16xi32>
      %swap3A_69 = arith.index_cast %add3A_25 : i32 to index
      %swap3A_70 = arith.constant 64 : index
      %swap3A_71 = tpu.vector_load %arg6[%swap3A_69, %swap3A_70] {strides = array<i32>} : memref<256x128xi32, #tpu.memory_space<vmem>>, vector<1x16xi32>,
      %swap3A_72 = vector.shape_cast %swap3A_71 : vector<1x16xi32> to vector<16xi32>
      %swap3A_73 = vector.shape_cast %add3A_68 : vector<16xi32> to vector<1x16xi32>
      tpu.vector_store %arg6[%swap3A_69, %swap3A_70], %swap3A_73 {strides = array<i32>} : memref<256x128xi32, #tpu.memory_space<vmem>>, vector<1x16xi32>,
      %add3A_74 = vector.broadcast %mul3A_66 : i32 to vector<16xi32>
      %add3A_75 = arith.addi %get3A_7, %add3A_74 : vector<16xi32>
      %swap3A_76 = arith.index_cast %add3A_25 : i32 to index
      %swap3A_77 = arith.constant 80 : index
      %swap3A_78 = tpu.vector_load %arg6[%swap3A_76, %swap3A_77] {strides = array<i32>} : memref<256x128xi32, #tpu.memory_space<vmem>>, vector<1x16xi32>,
      %swap3A_79 = vector.shape_cast %swap3A_78 : vector<1x16xi32> to vector<16xi32>
      %swap3A_80 = vector.shape_cast %add3A_75 : vector<16xi32> to vector<1x16xi32>
      tpu.vector_store %arg6[%swap3A_76, %swap3A_77], %swap3A_80 {strides = array<i32>} : memref<256x128xi32, #tpu.memory_space<vmem>>, vector<1x16xi32>,
      %add3A_81 = vector.broadcast %mul3A_66 : i32 to vector<16xi32>
      %add3A_82 = arith.addi %get3A_10, %add3A_81 : vector<16xi32>
      %swap3A_83 = arith.index_cast %add3A_25 : i32 to index
      %swap3A_84 = arith.constant 96 : index
      %swap3A_85 = tpu.vector_load %arg6[%swap3A_83, %swap3A_84] {strides = array<i32>} : memref<256x128xi32, #tpu.memory_space<vmem>>, vector<1x16xi32>,
      %swap3A_86 = vector.shape_cast %swap3A_85 : vector<1x16xi32> to vector<16xi32>
      %swap3A_87 = vector.shape_cast %add3A_82 : vector<16xi32> to vector<1x16xi32>
      tpu.vector_store %arg6[%swap3A_83, %swap3A_84], %swap3A_87 {strides = array<i32>} : memref<256x128xi32, #tpu.memory_space<vmem>>, vector<1x16xi32>,
      %add3A_88 = vector.broadcast %mul3A_66 : i32 to vector<16xi32>
      %add3A_89 = arith.addi %get3A_13, %add3A_88 : vector<16xi32>
      %swap3A_90 = arith.index_cast %add3A_25 : i32 to index
      %swap3A_91 = arith.constant 112 : index
      %swap3A_92 = tpu.vector_load %arg6[%swap3A_90, %swap3A_91] {strides = array<i32>} : memref<256x128xi32, #tpu.memory_space<vmem>>, vector<1x16xi32>,
      %swap3A_93 = vector.shape_cast %swap3A_92 : vector<1x16xi32> to vector<16xi32>
      %swap3A_94 = vector.shape_cast %add3A_89 : vector<16xi32> to vector<1x16xi32>
      tpu.vector_store %arg6[%swap3A_90, %swap3A_91], %swap3A_94 {strides = array<i32>} : memref<256x128xi32, #tpu.memory_space<vmem>>, vector<1x16xi32>,
      %mul3A_95 = arith.constant 128 : i32
      %mul3A_96 = arith.muli %add3A_25, %mul3A_95 : i32
      %dma_start3A = tpu.memref_slice %arg7[%mul3A_96] : memref<32768xf32, #tpu.memory_space<vmem>> -> memref<128xf32, #tpu.memory_space<vmem>>
      %dma_start3A_97 = arith.constant 0 : i32
      %dma_start3A_98 = tpu.memref_slice %arg6[%add3A_25, %dma_start3A_97] : memref<256x128xi32, #tpu.memory_space<vmem>> -> memref<1x128xi32, #tpu.memory_space<vmem>>
      %dma_start3A_99 = tpu.memref_squeeze %dma_start3A_98 : memref<1x128xi32, #tpu.memory_space<vmem>> -> memref<128xi32, #tpu.memory_space<vmem>>
      %dma_start3A_100 = arith.constant 0 : i32
      %dma_start3A_101 = tpu.memref_slice %arg2[%dma_start3A_100] : memref<67108864xf32, #tpu.memory_space<hbm>> -> memref<67108864xf32, #tpu.memory_space<hbm>>
      tpu.enqueue_indirect_dma source(%dma_start3A_101 : memref<67108864xf32, #tpu.memory_space<hbm>>) target(%dma_start3A : memref<128xf32, #tpu.memory_space<vmem>>) offsets(%dma_start3A_99 : memref<128xi32, #tpu.memory_space<vmem>>) semaphore(%arg8 : memref<!tpu.dma_semaphore, #tpu.memory_space<semaphore_mem>>)
      %mul3A_102 = arith.constant 8 : i32
      %mul3A_103 = arith.muli %scan3A_21, %mul3A_102 : i32
      %add3A_104 = arith.constant 1 : i32
      %add3A_105 = arith.addi %mul3A_103, %add3A_104 : i32
      %mul3A_106 = arith.constant 2 : i32
      %mul3A_107 = arith.muli %add3A_105, %mul3A_106 : i32
      %add3A_108 = arith.addi %mul3A_2, %mul3A_107 : i32
      %add3A_109 = arith.constant 0 : i32
      %add3A_110 = arith.addi %add3A_108, %add3A_109 : i32
      %mul3A_111 = arith.constant 4096 : i32
      %mul3A_112 = arith.muli %add3A_110, %mul3A_111 : i32
      %add3A_113 = vector.broadcast %mul3A_112 : i32 to vector<16xi32>
      %add3A_114 = arith.addi %get3A_4, %add3A_113 : vector<16xi32>
      %swap3A_115 = arith.index_cast %add3A_105 : i32 to index
      %swap3A_116 = arith.constant 0 : index
      %swap3A_117 = tpu.vector_load %arg6[%swap3A_115, %swap3A_116] {strides = array<i32>} : memref<256x128xi32, #tpu.memory_space<vmem>>, vector<1x16xi32>,
      %swap3A_118 = vector.shape_cast %swap3A_117 : vector<1x16xi32> to vector<16xi32>
      %swap3A_119 = vector.shape_cast %add3A_114 : vector<16xi32> to vector<1x16xi32>
      tpu.vector_store %arg6[%swap3A_115, %swap3A_116], %swap3A_119 {strides = array<i32>} : memref<256x128xi32, #tpu.memory_space<vmem>>, vector<1x16xi32>,
      %add3A_120 = vector.broadcast %mul3A_112 : i32 to vector<16xi32>
      %add3A_121 = arith.addi %get3A_7, %add3A_120 : vector<16xi32>
      %swap3A_122 = arith.index_cast %add3A_105 : i32 to index
      %swap3A_123 = arith.constant 16 : index
      %swap3A_124 = tpu.vector_load %arg6[%swap3A_122, %swap3A_123] {strides = array<i32>} : memref<256x128xi32, #tpu.memory_space<vmem>>, vector<1x16xi32>,
      %swap3A_125 = vector.shape_cast %swap3A_124 : vector<1x16xi32> to vector<16xi32>
      %swap3A_126 = vector.shape_cast %add3A_121 : vector<16xi32> to vector<1x16xi32>
      tpu.vector_store %arg6[%swap3A_122, %swap3A_123], %swap3A_126 {strides = array<i32>} : memref<256x128xi32, #tpu.memory_space<vmem>>, vector<1x16xi32>,
      %add3A_127 = vector.broadcast %mul3A_112 : i32 to vector<16xi32>
      %add3A_128 = arith.addi %get3A_10, %add3A_127 : vector<16xi32>
      %swap3A_129 = arith.index_cast %add3A_105 : i32 to index
      %swap3A_130 = arith.constant 32 : index
      %swap3A_131 = tpu.vector_load %arg6[%swap3A_129, %swap3A_130] {strides = array<i32>} : memref<256x128xi32, #tpu.memory_space<vmem>>, vector<1x16xi32>,
      %swap3A_132 = vector.shape_cast %swap3A_131 : vector<1x16xi32> to vector<16xi32>
      %swap3A_133 = vector.shape_cast %add3A_128 : vector<16xi32> to vector<1x16xi32>
      tpu.vector_store %arg6[%swap3A_129, %swap3A_130], %swap3A_133 {strides = array<i32>} : memref<256x128xi32, #tpu.memory_space<vmem>>, vector<1x16xi32>,
      %add3A_134 = vector.broadcast %mul3A_112 : i32 to vector<16xi32>
      %add3A_135 = arith.addi %get3A_13, %add3A_134 : vector<16xi32>
      %swap3A_136 = arith.index_cast %add3A_105 : i32 to index
      %swap3A_137 = arith.constant 48 : index
      %swap3A_138 = tpu.vector_load %arg6[%swap3A_136, %swap3A_137] {strides = array<i32>} : memref<256x128xi32, #tpu.memory_space<vmem>>, vector<1x16xi32>,
      %swap3A_139 = vector.shape_cast %swap3A_138 : vector<1x16xi32> to vector<16xi32>
      %swap3A_140 = vector.shape_cast %add3A_135 : vector<16xi32> to vector<1x16xi32>
      tpu.vector_store %arg6[%swap3A_136, %swap3A_137], %swap3A_140 {strides = array<i32>} : memref<256x128xi32, #tpu.memory_space<vmem>>, vector<1x16xi32>,
      %mul3A_141 = arith.constant 2 : i32
      %mul3A_142 = arith.muli %add3A_105, %mul3A_141 : i32
      %add3A_143 = arith.addi %mul3A_2, %mul3A_142 : i32
      %add3A_144 = arith.constant 1 : i32
      %add3A_145 = arith.addi %add3A_143, %add3A_144 : i32
      %mul3A_146 = arith.constant 4096 : i32
      %mul3A_147 = arith.muli %add3A_145, %mul3A_146 : i32
      %add3A_148 = vector.broadcast %mul3A_147 : i32 to vector<16xi32>
      %add3A_149 = arith.addi %get3A_4, %add3A_148 : vector<16xi32>
      %swap3A_150 = arith.index_cast %add3A_105 : i32 to index
      %swap3A_151 = arith.constant 64 : index
      %swap3A_152 = tpu.vector_load %arg6[%swap3A_150, %swap3A_151] {strides = array<i32>} : memref<256x128xi32, #tpu.memory_space<vmem>>, vector<1x16xi32>,
      %swap3A_153 = vector.shape_cast %swap3A_152 : vector<1x16xi32> to vector<16xi32>
      %swap3A_154 = vector.shape_cast %add3A_149 : vector<16xi32> to vector<1x16xi32>
      tpu.vector_store %arg6[%swap3A_150, %swap3A_151], %swap3A_154 {strides = array<i32>} : memref<256x128xi32, #tpu.memory_space<vmem>>, vector<1x16xi32>,
      %add3A_155 = vector.broadcast %mul3A_147 : i32 to vector<16xi32>
      %add3A_156 = arith.addi %get3A_7, %add3A_155 : vector<16xi32>
      %swap3A_157 = arith.index_cast %add3A_105 : i32 to index
      %swap3A_158 = arith.constant 80 : index
      %swap3A_159 = tpu.vector_load %arg6[%swap3A_157, %swap3A_158] {strides = array<i32>} : memref<256x128xi32, #tpu.memory_space<vmem>>, vector<1x16xi32>,
      %swap3A_160 = vector.shape_cast %swap3A_159 : vector<1x16xi32> to vector<16xi32>
      %swap3A_161 = vector.shape_cast %add3A_156 : vector<16xi32> to vector<1x16xi32>
      tpu.vector_store %arg6[%swap3A_157, %swap3A_158], %swap3A_161 {strides = array<i32>} : memref<256x128xi32, #tpu.memory_space<vmem>>, vector<1x16xi32>,
      %add3A_162 = vector.broadcast %mul3A_147 : i32 to vector<16xi32>
      %add3A_163 = arith.addi %get3A_10, %add3A_162 : vector<16xi32>
      %swap3A_164 = arith.index_cast %add3A_105 : i32 to index
      %swap3A_165 = arith.constant 96 : index
      %swap3A_166 = tpu.vector_load %arg6[%swap3A_164, %swap3A_165] {strides = array<i32>} : memref<256x128xi32, #tpu.memory_space<vmem>>, vector<1x16xi32>,
      %swap3A_167 = vector.shape_cast %swap3A_166 : vector<1x16xi32> to vector<16xi32>
      %swap3A_168 = vector.shape_cast %add3A_163 : vector<16xi32> to vector<1x16xi32>
      tpu.vector_store %arg6[%swap3A_164, %swap3A_165], %swap3A_168 {strides = array<i32>} : memref<256x128xi32, #tpu.memory_space<vmem>>, vector<1x16xi32>,
      %add3A_169 = vector.broadcast %mul3A_147 : i32 to vector<16xi32>
      %add3A_170 = arith.addi %get3A_13, %add3A_169 : vector<16xi32>
      %swap3A_171 = arith.index_cast %add3A_105 : i32 to index
      %swap3A_172 = arith.constant 112 : index
      %swap3A_173 = tpu.vector_load %arg6[%swap3A_171, %swap3A_172] {strides = array<i32>} : memref<256x128xi32, #tpu.memory_space<vmem>>, vector<1x16xi32>,
      %swap3A_174 = vector.shape_cast %swap3A_173 : vector<1x16xi32> to vector<16xi32>
      %swap3A_175 = vector.shape_cast %add3A_170 : vector<16xi32> to vector<1x16xi32>
      tpu.vector_store %arg6[%swap3A_171, %swap3A_172], %swap3A_175 {strides = array<i32>} : memref<256x128xi32, #tpu.memory_space<vmem>>, vector<1x16xi32>,
      %mul3A_176 = arith.constant 128 : i32
      %mul3A_177 = arith.muli %add3A_105, %mul3A_176 : i32
      %dma_start3A_178 = tpu.memref_slice %arg7[%mul3A_177] : memref<32768xf32, #tpu.memory_space<vmem>> -> memref<128xf32, #tpu.memory_space<vmem>>
      %dma_start3A_179 = arith.constant 0 : i32
      %dma_start3A_180 = tpu.memref_slice %arg6[%add3A_105, %dma_start3A_179] : memref<256x128xi32, #tpu.memory_space<vmem>> -> memref<1x128xi32, #tpu.memory_space<vmem>>
      %dma_start3A_181 = tpu.memref_squeeze %dma_start3A_180 : memref<1x128xi32, #tpu.memory_space<vmem>> -> memref<128xi32, #tpu.memory_space<vmem>>
      %dma_start3A_182 = arith.constant 0 : i32
      %dma_start3A_183 = tpu.memref_slice %arg2[%dma_start3A_182] : memref<67108864xf32, #tpu.memory_space<hbm>> -> memref<67108864xf32, #tpu.memory_space<hbm>>
      tpu.enqueue_indirect_dma source(%dma_start3A_183 : memref<67108864xf32, #tpu.memory_space<hbm>>) target(%dma_start3A_178 : memref<128xf32, #tpu.memory_space<vmem>>) offsets(%dma_start3A_181 : memref<128xi32, #tpu.memory_space<vmem>>) semaphore(%arg8 : memref<!tpu.dma_semaphore, #tpu.memory_space<semaphore_mem>>)
      %mul3A_184 = arith.constant 8 : i32
      %mul3A_185 = arith.muli %scan3A_21, %mul3A_184 : i32
      %add3A_186 = arith.constant 2 : i32
      %add3A_187 = arith.addi %mul3A_185, %add3A_186 : i32
      %mul3A_188 = arith.constant 2 : i32
      %mul3A_189 = arith.muli %add3A_187, %mul3A_188 : i32
      %add3A_190 = arith.addi %mul3A_2, %mul3A_189 : i32
      %add3A_191 = arith.constant 0 : i32
      %add3A_192 = arith.addi %add3A_190, %add3A_191 : i32
      %mul3A_193 = arith.constant 4096 : i32
      %mul3A_194 = arith.muli %add3A_192, %mul3A_193 : i32
      %add3A_195 = vector.broadcast %mul3A_194 : i32 to vector<16xi32>
      %add3A_196 = arith.addi %get3A_4, %add3A_195 : vector<16xi32>
      %swap3A_197 = arith.index_cast %add3A_187 : i32 to index
      %swap3A_198 = arith.constant 0 : index
      %swap3A_199 = tpu.vector_load %arg6[%swap3A_197, %swap3A_198] {strides = array<i32>} : memref<256x128xi32, #tpu.memory_space<vmem>>, vector<1x16xi32>,
      %swap3A_200 = vector.shape_cast %swap3A_199 : vector<1x16xi32> to vector<16xi32>
      %swap3A_201 = vector.shape_cast %add3A_196 : vector<16xi32> to vector<1x16xi32>
      tpu.vector_store %arg6[%swap3A_197, %swap3A_198], %swap3A_201 {strides = array<i32>} : memref<256x128xi32, #tpu.memory_space<vmem>>, vector<1x16xi32>,
      %add3A_202 = vector.broadcast %mul3A_194 : i32 to vector<16xi32>
      %add3A_203 = arith.addi %get3A_7, %add3A_202 : vector<16xi32>
      %swap3A_204 = arith.index_cast %add3A_187 : i32 to index
      %swap3A_205 = arith.constant 16 : index
      %swap3A_206 = tpu.vector_load %arg6[%swap3A_204, %swap3A_205] {strides = array<i32>} : memref<256x128xi32, #tpu.memory_space<vmem>>, vector<1x16xi32>,
      %swap3A_207 = vector.shape_cast %swap3A_206 : vector<1x16xi32> to vector<16xi32>
      %swap3A_208 = vector.shape_cast %add3A_203 : vector<16xi32> to vector<1x16xi32>
      tpu.vector_store %arg6[%swap3A_204, %swap3A_205], %swap3A_208 {strides = array<i32>} : memref<256x128xi32, #tpu.memory_space<vmem>>, vector<1x16xi32>,
      %add3A_209 = vector.broadcast %mul3A_194 : i32 to vector<16xi32>
      %add3A_210 = arith.addi %get3A_10, %add3A_209 : vector<16xi32>
      %swap3A_211 = arith.index_cast %add3A_187 : i32 to index
      %swap3A_212 = arith.constant 32 : index
      %swap3A_213 = tpu.vector_load %arg6[%swap3A_211, %swap3A_212] {strides = array<i32>} : memref<256x128xi32, #tpu.memory_space<vmem>>, vector<1x16xi32>,
      %swap3A_214 = vector.shape_cast %swap3A_213 : vector<1x16xi32> to vector<16xi32>
      %swap3A_215 = vector.shape_cast %add3A_210 : vector<16xi32> to vector<1x16xi32>
      tpu.vector_store %arg6[%swap3A_211, %swap3A_212], %swap3A_215 {strides = array<i32>} : memref<256x128xi32, #tpu.memory_space<vmem>>, vector<1x16xi32>,
      %add3A_216 = vector.broadcast %mul3A_194 : i32 to vector<16xi32>
      %add3A_217 = arith.addi %get3A_13, %add3A_216 : vector<16xi32>
      %swap3A_218 = arith.index_cast %add3A_187 : i32 to index
      %swap3A_219 = arith.constant 48 : index
      %swap3A_220 = tpu.vector_load %arg6[%swap3A_218, %swap3A_219] {strides = array<i32>} : memref<256x128xi32, #tpu.memory_space<vmem>>, vector<1x16xi32>,
      %swap3A_221 = vector.shape_cast %swap3A_220 : vector<1x16xi32> to vector<16xi32>
      %swap3A_222 = vector.shape_cast %add3A_217 : vector<16xi32> to vector<1x16xi32>
      tpu.vector_store %arg6[%swap3A_218, %swap3A_219], %swap3A_222 {strides = array<i32>} : memref<256x128xi32, #tpu.memory_space<vmem>>, vector<1x16xi32>,
      %mul3A_223 = arith.constant 2 : i32
      %mul3A_224 = arith.muli %add3A_187, %mul3A_223 : i32
      %add3A_225 = arith.addi %mul3A_2, %mul3A_224 : i32
      %add3A_226 = arith.constant 1 : i32
      %add3A_227 = arith.addi %add3A_225, %add3A_226 : i32
      %mul3A_228 = arith.constant 4096 : i32
      %mul3A_229 = arith.muli %add3A_227, %mul3A_228 : i32
      %add3A_230 = vector.broadcast %mul3A_229 : i32 to vector<16xi32>
      %add3A_231 = arith.addi %get3A_4, %add3A_230 : vector<16xi32>
      %swap3A_232 = arith.index_cast %add3A_187 : i32 to index
      %swap3A_233 = arith.constant 64 : index
      %swap3A_234 = tpu.vector_load %arg6[%swap3A_232, %swap3A_233] {strides = array<i32>} : memref<256x128xi32, #tpu.memory_space<vmem>>, vector<1x16xi32>,
      %swap3A_235 = vector.shape_cast %swap3A_234 : vector<1x16xi32> to vector<16xi32>
      %swap3A_236 = vector.shape_cast %add3A_231 : vector<16xi32> to vector<1x16xi32>
      tpu.vector_store %arg6[%swap3A_232, %swap3A_233], %swap3A_236 {strides = array<i32>} : memref<256x128xi32, #tpu.memory_space<vmem>>, vector<1x16xi32>,
      %add3A_237 = vector.broadcast %mul3A_229 : i32 to vector<16xi32>
      %add3A_238 = arith.addi %get3A_7, %add3A_237 : vector<16xi32>
      %swap3A_239 = arith.index_cast %add3A_187 : i32 to index
      %swap3A_240 = arith.constant 80 : index
      %swap3A_241 = tpu.vector_load %arg6[%swap3A_239, %swap3A_240] {strides = array<i32>} : memref<256x128xi32, #tpu.memory_space<vmem>>, vector<1x16xi32>,
      %swap3A_242 = vector.shape_cast %swap3A_241 : vector<1x16xi32> to vector<16xi32>
      %swap3A_243 = vector.shape_cast %add3A_238 : vector<16xi32> to vector<1x16xi32>
      tpu.vector_store %arg6[%swap3A_239, %swap3A_240], %swap3A_243 {strides = array<i32>} : memref<256x128xi32, #tpu.memory_space<vmem>>, vector<1x16xi32>,
      %add3A_244 = vector.broadcast %mul3A_229 : i32 to vector<16xi32>
      %add3A_245 = arith.addi %get3A_10, %add3A_244 : vector<16xi32>
      %swap3A_246 = arith.index_cast %add3A_187 : i32 to index
      %swap3A_247 = arith.constant 96 : index
      %swap3A_248 = tpu.vector_load %arg6[%swap3A_246, %swap3A_247] {strides = array<i32>} : memref<256x128xi32, #tpu.memory_space<vmem>>, vector<1x16xi32>,
      %swap3A_249 = vector.shape_cast %swap3A_248 : vector<1x16xi32> to vector<16xi32>
      %swap3A_250 = vector.shape_cast %add3A_245 : vector<16xi32> to vector<1x16xi32>
      tpu.vector_store %arg6[%swap3A_246, %swap3A_247], %swap3A_250 {strides = array<i32>} : memref<256x128xi32, #tpu.memory_space<vmem>>, vector<1x16xi32>,
      %add3A_251 = vector.broadcast %mul3A_229 : i32 to vector<16xi32>
      %add3A_252 = arith.addi %get3A_13, %add3A_251 : vector<16xi32>
      %swap3A_253 = arith.index_cast %add3A_187 : i32 to index
      %swap3A_254 = arith.constant 112 : index
      %swap3A_255 = tpu.vector_load %arg6[%swap3A_253, %swap3A_254] {strides = array<i32>} : memref<256x128xi32, #tpu.memory_space<vmem>>, vector<1x16xi32>,
      %swap3A_256 = vector.shape_cast %swap3A_255 : vector<1x16xi32> to vector<16xi32>
      %swap3A_257 = vector.shape_cast %add3A_252 : vector<16xi32> to vector<1x16xi32>
      tpu.vector_store %arg6[%swap3A_253, %swap3A_254], %swap3A_257 {strides = array<i32>} : memref<256x128xi32, #tpu.memory_space<vmem>>, vector<1x16xi32>,
      %mul3A_258 = arith.constant 128 : i32
      %mul3A_259 = arith.muli %add3A_187, %mul3A_258 : i32
      %dma_start3A_260 = tpu.memref_slice %arg7[%mul3A_259] : memref<32768xf32, #tpu.memory_space<vmem>> -> memref<128xf32, #tpu.memory_space<vmem>>
      %dma_start3A_261 = arith.constant 0 : i32
      %dma_start3A_262 = tpu.memref_slice %arg6[%add3A_187, %dma_start3A_261] : memref<256x128xi32, #tpu.memory_space<vmem>> -> memref<1x128xi32, #tpu.memory_space<vmem>>
      %dma_start3A_263 = tpu.memref_squeeze %dma_start3A_262 : memref<1x128xi32, #tpu.memory_space<vmem>> -> memref<128xi32, #tpu.memory_space<vmem>>
      %dma_start3A_264 = arith.constant 0 : i32
      %dma_start3A_265 = tpu.memref_slice %arg2[%dma_start3A_264] : memref<67108864xf32, #tpu.memory_space<hbm>> -> memref<67108864xf32, #tpu.memory_space<hbm>>
      tpu.enqueue_indirect_dma source(%dma_start3A_265 : memref<67108864xf32, #tpu.memory_space<hbm>>) target(%dma_start3A_260 : memref<128xf32, #tpu.memory_space<vmem>>) offsets(%dma_start3A_263 : memref<128xi32, #tpu.memory_space<vmem>>) semaphore(%arg8 : memref<!tpu.dma_semaphore, #tpu.memory_space<semaphore_mem>>)
      %mul3A_266 = arith.constant 8 : i32
      %mul3A_267 = arith.muli %scan3A_21, %mul3A_266 : i32
      %add3A_268 = arith.constant 3 : i32
      %add3A_269 = arith.addi %mul3A_267, %add3A_268 : i32
      %mul3A_270 = arith.constant 2 : i32
      %mul3A_271 = arith.muli %add3A_269, %mul3A_270 : i32
      %add3A_272 = arith.addi %mul3A_2, %mul3A_271 : i32
      %add3A_273 = arith.constant 0 : i32
      %add3A_274 = arith.addi %add3A_272, %add3A_273 : i32
      %mul3A_275 = arith.constant 4096 : i32
      %mul3A_276 = arith.muli %add3A_274, %mul3A_275 : i32
      %add3A_277 = vector.broadcast %mul3A_276 : i32 to vector<16xi32>
      %add3A_278 = arith.addi %get3A_4, %add3A_277 : vector<16xi32>
      %swap3A_279 = arith.index_cast %add3A_269 : i32 to index
      %swap3A_280 = arith.constant 0 : index
      %swap3A_281 = tpu.vector_load %arg6[%swap3A_279, %swap3A_280] {strides = array<i32>} : memref<256x128xi32, #tpu.memory_space<vmem>>, vector<1x16xi32>,
      %swap3A_282 = vector.shape_cast %swap3A_281 : vector<1x16xi32> to vector<16xi32>
      %swap3A_283 = vector.shape_cast %add3A_278 : vector<16xi32> to vector<1x16xi32>
      tpu.vector_store %arg6[%swap3A_279, %swap3A_280], %swap3A_283 {strides = array<i32>} : memref<256x128xi32, #tpu.memory_space<vmem>>, vector<1x16xi32>,
      %add3A_284 = vector.broadcast %mul3A_276 : i32 to vector<16xi32>
      %add3A_285 = arith.addi %get3A_7, %add3A_284 : vector<16xi32>
      %swap3A_286 = arith.index_cast %add3A_269 : i32 to index
      %swap3A_287 = arith.constant 16 : index
      %swap3A_288 = tpu.vector_load %arg6[%swap3A_286, %swap3A_287] {strides = array<i32>} : memref<256x128xi32, #tpu.memory_space<vmem>>, vector<1x16xi32>,
      %swap3A_289 = vector.shape_cast %swap3A_288 : vector<1x16xi32> to vector<16xi32>
      %swap3A_290 = vector.shape_cast %add3A_285 : vector<16xi32> to vector<1x16xi32>
      tpu.vector_store %arg6[%swap3A_286, %swap3A_287], %swap3A_290 {strides = array<i32>} : memref<256x128xi32, #tpu.memory_space<vmem>>, vector<1x16xi32>,
      %add3A_291 = vector.broadcast %mul3A_276 : i32 to vector<16xi32>
      %add3A_292 = arith.addi %get3A_10, %add3A_291 : vector<16xi32>
      %swap3A_293 = arith.index_cast %add3A_269 : i32 to index
      %swap3A_294 = arith.constant 32 : index
      %swap3A_295 = tpu.vector_load %arg6[%swap3A_293, %swap3A_294] {strides = array<i32>} : memref<256x128xi32, #tpu.memory_space<vmem>>, vector<1x16xi32>,
      %swap3A_296 = vector.shape_cast %swap3A_295 : vector<1x16xi32> to vector<16xi32>
      %swap3A_297 = vector.shape_cast %add3A_292 : vector<16xi32> to vector<1x16xi32>
      tpu.vector_store %arg6[%swap3A_293, %swap3A_294], %swap3A_297 {strides = array<i32>} : memref<256x128xi32, #tpu.memory_space<vmem>>, vector<1x16xi32>,
      %add3A_298 = vector.broadcast %mul3A_276 : i32 to vector<16xi32>
      %add3A_299 = arith.addi %get3A_13, %add3A_298 : vector<16xi32>
      %swap3A_300 = arith.index_cast %add3A_269 : i32 to index
      %swap3A_301 = arith.constant 48 : index
      %swap3A_302 = tpu.vector_load %arg6[%swap3A_300, %swap3A_301] {strides = array<i32>} : memref<256x128xi32, #tpu.memory_space<vmem>>, vector<1x16xi32>,
      %swap3A_303 = vector.shape_cast %swap3A_302 : vector<1x16xi32> to vector<16xi32>
      %swap3A_304 = vector.shape_cast %add3A_299 : vector<16xi32> to vector<1x16xi32>
      tpu.vector_store %arg6[%swap3A_300, %swap3A_301], %swap3A_304 {strides = array<i32>} : memref<256x128xi32, #tpu.memory_space<vmem>>, vector<1x16xi32>,
      %mul3A_305 = arith.constant 2 : i32
      %mul3A_306 = arith.muli %add3A_269, %mul3A_305 : i32
      %add3A_307 = arith.addi %mul3A_2, %mul3A_306 : i32
      %add3A_308 = arith.constant 1 : i32
      %add3A_309 = arith.addi %add3A_307, %add3A_308 : i32
      %mul3A_310 = arith.constant 4096 : i32
      %mul3A_311 = arith.muli %add3A_309, %mul3A_310 : i32
      %add3A_312 = vector.broadcast %mul3A_311 : i32 to vector<16xi32>
      %add3A_313 = arith.addi %get3A_4, %add3A_312 : vector<16xi32>
      %swap3A_314 = arith.index_cast %add3A_269 : i32 to index
      %swap3A_315 = arith.constant 64 : index
      %swap3A_316 = tpu.vector_load %arg6[%swap3A_314, %swap3A_315] {strides = array<i32>} : memref<256x128xi32, #tpu.memory_space<vmem>>, vector<1x16xi32>,
      %swap3A_317 = vector.shape_cast %swap3A_316 : vector<1x16xi32> to vector<16xi32>
      %swap3A_318 = vector.shape_cast %add3A_313 : vector<16xi32> to vector<1x16xi32>
      tpu.vector_store %arg6[%swap3A_314, %swap3A_315], %swap3A_318 {strides = array<i32>} : memref<256x128xi32, #tpu.memory_space<vmem>>, vector<1x16xi32>,
      %add3A_319 = vector.broadcast %mul3A_311 : i32 to vector<16xi32>
      %add3A_320 = arith.addi %get3A_7, %add3A_319 : vector<16xi32>
      %swap3A_321 = arith.index_cast %add3A_269 : i32 to index
      %swap3A_322 = arith.constant 80 : index
      %swap3A_323 = tpu.vector_load %arg6[%swap3A_321, %swap3A_322] {strides = array<i32>} : memref<256x128xi32, #tpu.memory_space<vmem>>, vector<1x16xi32>,
      %swap3A_324 = vector.shape_cast %swap3A_323 : vector<1x16xi32> to vector<16xi32>
      %swap3A_325 = vector.shape_cast %add3A_320 : vector<16xi32> to vector<1x16xi32>
      tpu.vector_store %arg6[%swap3A_321, %swap3A_322], %swap3A_325 {strides = array<i32>} : memref<256x128xi32, #tpu.memory_space<vmem>>, vector<1x16xi32>,
      %add3A_326 = vector.broadcast %mul3A_311 : i32 to vector<16xi32>
      %add3A_327 = arith.addi %get3A_10, %add3A_326 : vector<16xi32>
      %swap3A_328 = arith.index_cast %add3A_269 : i32 to index
      %swap3A_329 = arith.constant 96 : index
      %swap3A_330 = tpu.vector_load %arg6[%swap3A_328, %swap3A_329] {strides = array<i32>} : memref<256x128xi32, #tpu.memory_space<vmem>>, vector<1x16xi32>,
      %swap3A_331 = vector.shape_cast %swap3A_330 : vector<1x16xi32> to vector<16xi32>
      %swap3A_332 = vector.shape_cast %add3A_327 : vector<16xi32> to vector<1x16xi32>
      tpu.vector_store %arg6[%swap3A_328, %swap3A_329], %swap3A_332 {strides = array<i32>} : memref<256x128xi32, #tpu.memory_space<vmem>>, vector<1x16xi32>,
      %add3A_333 = vector.broadcast %mul3A_311 : i32 to vector<16xi32>
      %add3A_334 = arith.addi %get3A_13, %add3A_333 : vector<16xi32>
      %swap3A_335 = arith.index_cast %add3A_269 : i32 to index
      %swap3A_336 = arith.constant 112 : index
      %swap3A_337 = tpu.vector_load %arg6[%swap3A_335, %swap3A_336] {strides = array<i32>} : memref<256x128xi32, #tpu.memory_space<vmem>>, vector<1x16xi32>,
      %swap3A_338 = vector.shape_cast %swap3A_337 : vector<1x16xi32> to vector<16xi32>
      %swap3A_339 = vector.shape_cast %add3A_334 : vector<16xi32> to vector<1x16xi32>
      tpu.vector_store %arg6[%swap3A_335, %swap3A_336], %swap3A_339 {strides = array<i32>} : memref<256x128xi32, #tpu.memory_space<vmem>>, vector<1x16xi32>,
      %mul3A_340 = arith.constant 128 : i32
      %mul3A_341 = arith.muli %add3A_269, %mul3A_340 : i32
      %dma_start3A_342 = tpu.memref_slice %arg7[%mul3A_341] : memref<32768xf32, #tpu.memory_space<vmem>> -> memref<128xf32, #tpu.memory_space<vmem>>
      %dma_start3A_343 = arith.constant 0 : i32
      %dma_start3A_344 = tpu.memref_slice %arg6[%add3A_269, %dma_start3A_343] : memref<256x128xi32, #tpu.memory_space<vmem>> -> memref<1x128xi32, #tpu.memory_space<vmem>>
      %dma_start3A_345 = tpu.memref_squeeze %dma_start3A_344 : memref<1x128xi32, #tpu.memory_space<vmem>> -> memref<128xi32, #tpu.memory_space<vmem>>
      %dma_start3A_346 = arith.constant 0 : i32
      %dma_start3A_347 = tpu.memref_slice %arg2[%dma_start3A_346] : memref<67108864xf32, #tpu.memory_space<hbm>> -> memref<67108864xf32, #tpu.memory_space<hbm>>
      tpu.enqueue_indirect_dma source(%dma_start3A_347 : memref<67108864xf32, #tpu.memory_space<hbm>>) target(%dma_start3A_342 : memref<128xf32, #tpu.memory_space<vmem>>) offsets(%dma_start3A_345 : memref<128xi32, #tpu.memory_space<vmem>>) semaphore(%arg8 : memref<!tpu.dma_semaphore, #tpu.memory_space<semaphore_mem>>)
      %mul3A_348 = arith.constant 8 : i32
      %mul3A_349 = arith.muli %scan3A_21, %mul3A_348 : i32
      %add3A_350 = arith.constant 4 : i32
      %add3A_351 = arith.addi %mul3A_349, %add3A_350 : i32
      %mul3A_352 = arith.constant 2 : i32
      %mul3A_353 = arith.muli %add3A_351, %mul3A_352 : i32
      %add3A_354 = arith.addi %mul3A_2, %mul3A_353 : i32
      %add3A_355 = arith.constant 0 : i32
      %add3A_356 = arith.addi %add3A_354, %add3A_355 : i32
      %mul3A_357 = arith.constant 4096 : i32
      %mul3A_358 = arith.muli %add3A_356, %mul3A_357 : i32
      %add3A_359 = vector.broadcast %mul3A_358 : i32 to vector<16xi32>
      %add3A_360 = arith.addi %get3A_4, %add3A_359 : vector<16xi32>
      %swap3A_361 = arith.index_cast %add3A_351 : i32 to index
      %swap3A_362 = arith.constant 0 : index
      %swap3A_363 = tpu.vector_load %arg6[%swap3A_361, %swap3A_362] {strides = array<i32>} : memref<256x128xi32, #tpu.memory_space<vmem>>, vector<1x16xi32>,
      %swap3A_364 = vector.shape_cast %swap3A_363 : vector<1x16xi32> to vector<16xi32>
      %swap3A_365 = vector.shape_cast %add3A_360 : vector<16xi32> to vector<1x16xi32>
      tpu.vector_store %arg6[%swap3A_361, %swap3A_362], %swap3A_365 {strides = array<i32>} : memref<256x128xi32, #tpu.memory_space<vmem>>, vector<1x16xi32>,
      %add3A_366 = vector.broadcast %mul3A_358 : i32 to vector<16xi32>
      %add3A_367 = arith.addi %get3A_7, %add3A_366 : vector<16xi32>
      %swap3A_368 = arith.index_cast %add3A_351 : i32 to index
      %swap3A_369 = arith.constant 16 : index
      %swap3A_370 = tpu.vector_load %arg6[%swap3A_368, %swap3A_369] {strides = array<i32>} : memref<256x128xi32, #tpu.memory_space<vmem>>, vector<1x16xi32>,
      %swap3A_371 = vector.shape_cast %swap3A_370 : vector<1x16xi32> to vector<16xi32>
      %swap3A_372 = vector.shape_cast %add3A_367 : vector<16xi32> to vector<1x16xi32>
      tpu.vector_store %arg6[%swap3A_368, %swap3A_369], %swap3A_372 {strides = array<i32>} : memref<256x128xi32, #tpu.memory_space<vmem>>, vector<1x16xi32>,
      %add3A_373 = vector.broadcast %mul3A_358 : i32 to vector<16xi32>
      %add3A_374 = arith.addi %get3A_10, %add3A_373 : vector<16xi32>
      %swap3A_375 = arith.index_cast %add3A_351 : i32 to index
      %swap3A_376 = arith.constant 32 : index
      %swap3A_377 = tpu.vector_load %arg6[%swap3A_375, %swap3A_376] {strides = array<i32>} : memref<256x128xi32, #tpu.memory_space<vmem>>, vector<1x16xi32>,
      %swap3A_378 = vector.shape_cast %swap3A_377 : vector<1x16xi32> to vector<16xi32>
      %swap3A_379 = vector.shape_cast %add3A_374 : vector<16xi32> to vector<1x16xi32>
      tpu.vector_store %arg6[%swap3A_375, %swap3A_376], %swap3A_379 {strides = array<i32>} : memref<256x128xi32, #tpu.memory_space<vmem>>, vector<1x16xi32>,
      %add3A_380 = vector.broadcast %mul3A_358 : i32 to vector<16xi32>
      %add3A_381 = arith.addi %get3A_13, %add3A_380 : vector<16xi32>
      %swap3A_382 = arith.index_cast %add3A_351 : i32 to index
      %swap3A_383 = arith.constant 48 : index
      %swap3A_384 = tpu.vector_load %arg6[%swap3A_382, %swap3A_383] {strides = array<i32>} : memref<256x128xi32, #tpu.memory_space<vmem>>, vector<1x16xi32>,
      %swap3A_385 = vector.shape_cast %swap3A_384 : vector<1x16xi32> to vector<16xi32>
      %swap3A_386 = vector.shape_cast %add3A_381 : vector<16xi32> to vector<1x16xi32>
      tpu.vector_store %arg6[%swap3A_382, %swap3A_383], %swap3A_386 {strides = array<i32>} : memref<256x128xi32, #tpu.memory_space<vmem>>, vector<1x16xi32>,
      %mul3A_387 = arith.constant 2 : i32
      %mul3A_388 = arith.muli %add3A_351, %mul3A_387 : i32
      %add3A_389 = arith.addi %mul3A_2, %mul3A_388 : i32
      %add3A_390 = arith.constant 1 : i32
      %add3A_391 = arith.addi %add3A_389, %add3A_390 : i32
      %mul3A_392 = arith.constant 4096 : i32
      %mul3A_393 = arith.muli %add3A_391, %mul3A_392 : i32
      %add3A_394 = vector.broadcast %mul3A_393 : i32 to vector<16xi32>
      %add3A_395 = arith.addi %get3A_4, %add3A_394 : vector<16xi32>
      %swap3A_396 = arith.index_cast %add3A_351 : i32 to index
      %swap3A_397 = arith.constant 64 : index
      %swap3A_398 = tpu.vector_load %arg6[%swap3A_396, %swap3A_397] {strides = array<i32>} : memref<256x128xi32, #tpu.memory_space<vmem>>, vector<1x16xi32>,
      %swap3A_399 = vector.shape_cast %swap3A_398 : vector<1x16xi32> to vector<16xi32>
      %swap3A_400 = vector.shape_cast %add3A_395 : vector<16xi32> to vector<1x16xi32>
      tpu.vector_store %arg6[%swap3A_396, %swap3A_397], %swap3A_400 {strides = array<i32>} : memref<256x128xi32, #tpu.memory_space<vmem>>, vector<1x16xi32>,
      %add3A_401 = vector.broadcast %mul3A_393 : i32 to vector<16xi32>
      %add3A_402 = arith.addi %get3A_7, %add3A_401 : vector<16xi32>
      %swap3A_403 = arith.index_cast %add3A_351 : i32 to index
      %swap3A_404 = arith.constant 80 : index
      %swap3A_405 = tpu.vector_load %arg6[%swap3A_403, %swap3A_404] {strides = array<i32>} : memref<256x128xi32, #tpu.memory_space<vmem>>, vector<1x16xi32>,
      %swap3A_406 = vector.shape_cast %swap3A_405 : vector<1x16xi32> to vector<16xi32>
      %swap3A_407 = vector.shape_cast %add3A_402 : vector<16xi32> to vector<1x16xi32>
      tpu.vector_store %arg6[%swap3A_403, %swap3A_404], %swap3A_407 {strides = array<i32>} : memref<256x128xi32, #tpu.memory_space<vmem>>, vector<1x16xi32>,
      %add3A_408 = vector.broadcast %mul3A_393 : i32 to vector<16xi32>
      %add3A_409 = arith.addi %get3A_10, %add3A_408 : vector<16xi32>
      %swap3A_410 = arith.index_cast %add3A_351 : i32 to index
      %swap3A_411 = arith.constant 96 : index
      %swap3A_412 = tpu.vector_load %arg6[%swap3A_410, %swap3A_411] {strides = array<i32>} : memref<256x128xi32, #tpu.memory_space<vmem>>, vector<1x16xi32>,
      %swap3A_413 = vector.shape_cast %swap3A_412 : vector<1x16xi32> to vector<16xi32>
      %swap3A_414 = vector.shape_cast %add3A_409 : vector<16xi32> to vector<1x16xi32>
      tpu.vector_store %arg6[%swap3A_410, %swap3A_411], %swap3A_414 {strides = array<i32>} : memref<256x128xi32, #tpu.memory_space<vmem>>, vector<1x16xi32>,
      %add3A_415 = vector.broadcast %mul3A_393 : i32 to vector<16xi32>
      %add3A_416 = arith.addi %get3A_13, %add3A_415 : vector<16xi32>
      %swap3A_417 = arith.index_cast %add3A_351 : i32 to index
      %swap3A_418 = arith.constant 112 : index
      %swap3A_419 = tpu.vector_load %arg6[%swap3A_417, %swap3A_418] {strides = array<i32>} : memref<256x128xi32, #tpu.memory_space<vmem>>, vector<1x16xi32>,
      %swap3A_420 = vector.shape_cast %swap3A_419 : vector<1x16xi32> to vector<16xi32>
      %swap3A_421 = vector.shape_cast %add3A_416 : vector<16xi32> to vector<1x16xi32>
      tpu.vector_store %arg6[%swap3A_417, %swap3A_418], %swap3A_421 {strides = array<i32>} : memref<256x128xi32, #tpu.memory_space<vmem>>, vector<1x16xi32>,
      %mul3A_422 = arith.constant 128 : i32
      %mul3A_423 = arith.muli %add3A_351, %mul3A_422 : i32
      %dma_start3A_424 = tpu.memref_slice %arg7[%mul3A_423] : memref<32768xf32, #tpu.memory_space<vmem>> -> memref<128xf32, #tpu.memory_space<vmem>>
      %dma_start3A_425 = arith.constant 0 : i32
      %dma_start3A_426 = tpu.memref_slice %arg6[%add3A_351, %dma_start3A_425] : memref<256x128xi32, #tpu.memory_space<vmem>> -> memref<1x128xi32, #tpu.memory_space<vmem>>
      %dma_start3A_427 = tpu.memref_squeeze %dma_start3A_426 : memref<1x128xi32, #tpu.memory_space<vmem>> -> memref<128xi32, #tpu.memory_space<vmem>>
      %dma_start3A_428 = arith.constant 0 : i32
      %dma_start3A_429 = tpu.memref_slice %arg2[%dma_start3A_428] : memref<67108864xf32, #tpu.memory_space<hbm>> -> memref<67108864xf32, #tpu.memory_space<hbm>>
      tpu.enqueue_indirect_dma source(%dma_start3A_429 : memref<67108864xf32, #tpu.memory_space<hbm>>) target(%dma_start3A_424 : memref<128xf32, #tpu.memory_space<vmem>>) offsets(%dma_start3A_427 : memref<128xi32, #tpu.memory_space<vmem>>) semaphore(%arg8 : memref<!tpu.dma_semaphore, #tpu.memory_space<semaphore_mem>>)
      %mul3A_430 = arith.constant 8 : i32
      %mul3A_431 = arith.muli %scan3A_21, %mul3A_430 : i32
      %add3A_432 = arith.constant 5 : i32
      %add3A_433 = arith.addi %mul3A_431, %add3A_432 : i32
      %mul3A_434 = arith.constant 2 : i32
      %mul3A_435 = arith.muli %add3A_433, %mul3A_434 : i32
      %add3A_436 = arith.addi %mul3A_2, %mul3A_435 : i32
      %add3A_437 = arith.constant 0 : i32
      %add3A_438 = arith.addi %add3A_436, %add3A_437 : i32
      %mul3A_439 = arith.constant 4096 : i32
      %mul3A_440 = arith.muli %add3A_438, %mul3A_439 : i32
      %add3A_441 = vector.broadcast %mul3A_440 : i32 to vector<16xi32>
      %add3A_442 = arith.addi %get3A_4, %add3A_441 : vector<16xi32>
      %swap3A_443 = arith.index_cast %add3A_433 : i32 to index
      %swap3A_444 = arith.constant 0 : index
      %swap3A_445 = tpu.vector_load %arg6[%swap3A_443, %swap3A_444] {strides = array<i32>} : memref<256x128xi32, #tpu.memory_space<vmem>>, vector<1x16xi32>,
      %swap3A_446 = vector.shape_cast %swap3A_445 : vector<1x16xi32> to vector<16xi32>
      %swap3A_447 = vector.shape_cast %add3A_442 : vector<16xi32> to vector<1x16xi32>
      tpu.vector_store %arg6[%swap3A_443, %swap3A_444], %swap3A_447 {strides = array<i32>} : memref<256x128xi32, #tpu.memory_space<vmem>>, vector<1x16xi32>,
      %add3A_448 = vector.broadcast %mul3A_440 : i32 to vector<16xi32>
      %add3A_449 = arith.addi %get3A_7, %add3A_448 : vector<16xi32>
      %swap3A_450 = arith.index_cast %add3A_433 : i32 to index
      %swap3A_451 = arith.constant 16 : index
      %swap3A_452 = tpu.vector_load %arg6[%swap3A_450, %swap3A_451] {strides = array<i32>} : memref<256x128xi32, #tpu.memory_space<vmem>>, vector<1x16xi32>,
      %swap3A_453 = vector.shape_cast %swap3A_452 : vector<1x16xi32> to vector<16xi32>
      %swap3A_454 = vector.shape_cast %add3A_449 : vector<16xi32> to vector<1x16xi32>
      tpu.vector_store %arg6[%swap3A_450, %swap3A_451], %swap3A_454 {strides = array<i32>} : memref<256x128xi32, #tpu.memory_space<vmem>>, vector<1x16xi32>,
      %add3A_455 = vector.broadcast %mul3A_440 : i32 to vector<16xi32>
      %add3A_456 = arith.addi %get3A_10, %add3A_455 : vector<16xi32>
      %swap3A_457 = arith.index_cast %add3A_433 : i32 to index
      %swap3A_458 = arith.constant 32 : index
      %swap3A_459 = tpu.vector_load %arg6[%swap3A_457, %swap3A_458] {strides = array<i32>} : memref<256x128xi32, #tpu.memory_space<vmem>>, vector<1x16xi32>,
      %swap3A_460 = vector.shape_cast %swap3A_459 : vector<1x16xi32> to vector<16xi32>
      %swap3A_461 = vector.shape_cast %add3A_456 : vector<16xi32> to vector<1x16xi32>
      tpu.vector_store %arg6[%swap3A_457, %swap3A_458], %swap3A_461 {strides = array<i32>} : memref<256x128xi32, #tpu.memory_space<vmem>>, vector<1x16xi32>,
      %add3A_462 = vector.broadcast %mul3A_440 : i32 to vector<16xi32>
      %add3A_463 = arith.addi %get3A_13, %add3A_462 : vector<16xi32>
      %swap3A_464 = arith.index_cast %add3A_433 : i32 to index
      %swap3A_465 = arith.constant 48 : index
      %swap3A_466 = tpu.vector_load %arg6[%swap3A_464, %swap3A_465] {strides = array<i32>} : memref<256x128xi32, #tpu.memory_space<vmem>>, vector<1x16xi32>,
      %swap3A_467 = vector.shape_cast %swap3A_466 : vector<1x16xi32> to vector<16xi32>
      %swap3A_468 = vector.shape_cast %add3A_463 : vector<16xi32> to vector<1x16xi32>
      tpu.vector_store %arg6[%swap3A_464, %swap3A_465], %swap3A_468 {strides = array<i32>} : memref<256x128xi32, #tpu.memory_space<vmem>>, vector<1x16xi32>,
      %mul3A_469 = arith.constant 2 : i32
      %mul3A_470 = arith.muli %add3A_433, %mul3A_469 : i32
      %add3A_471 = arith.addi %mul3A_2, %mul3A_470 : i32
      %add3A_472 = arith.constant 1 : i32
      %add3A_473 = arith.addi %add3A_471, %add3A_472 : i32
      %mul3A_474 = arith.constant 4096 : i32
      %mul3A_475 = arith.muli %add3A_473, %mul3A_474 : i32
      %add3A_476 = vector.broadcast %mul3A_475 : i32 to vector<16xi32>
      %add3A_477 = arith.addi %get3A_4, %add3A_476 : vector<16xi32>
      %swap3A_478 = arith.index_cast %add3A_433 : i32 to index
      %swap3A_479 = arith.constant 64 : index
      %swap3A_480 = tpu.vector_load %arg6[%swap3A_478, %swap3A_479] {strides = array<i32>} : memref<256x128xi32, #tpu.memory_space<vmem>>, vector<1x16xi32>,
      %swap3A_481 = vector.shape_cast %swap3A_480 : vector<1x16xi32> to vector<16xi32>
      %swap3A_482 = vector.shape_cast %add3A_477 : vector<16xi32> to vector<1x16xi32>
      tpu.vector_store %arg6[%swap3A_478, %swap3A_479], %swap3A_482 {strides = array<i32>} : memref<256x128xi32, #tpu.memory_space<vmem>>, vector<1x16xi32>,
      %add3A_483 = vector.broadcast %mul3A_475 : i32 to vector<16xi32>
      %add3A_484 = arith.addi %get3A_7, %add3A_483 : vector<16xi32>
      %swap3A_485 = arith.index_cast %add3A_433 : i32 to index
      %swap3A_486 = arith.constant 80 : index
      %swap3A_487 = tpu.vector_load %arg6[%swap3A_485, %swap3A_486] {strides = array<i32>} : memref<256x128xi32, #tpu.memory_space<vmem>>, vector<1x16xi32>,
      %swap3A_488 = vector.shape_cast %swap3A_487 : vector<1x16xi32> to vector<16xi32>
      %swap3A_489 = vector.shape_cast %add3A_484 : vector<16xi32> to vector<1x16xi32>
      tpu.vector_store %arg6[%swap3A_485, %swap3A_486], %swap3A_489 {strides = array<i32>} : memref<256x128xi32, #tpu.memory_space<vmem>>, vector<1x16xi32>,
      %add3A_490 = vector.broadcast %mul3A_475 : i32 to vector<16xi32>
      %add3A_491 = arith.addi %get3A_10, %add3A_490 : vector<16xi32>
      %swap3A_492 = arith.index_cast %add3A_433 : i32 to index
      %swap3A_493 = arith.constant 96 : index
      %swap3A_494 = tpu.vector_load %arg6[%swap3A_492, %swap3A_493] {strides = array<i32>} : memref<256x128xi32, #tpu.memory_space<vmem>>, vector<1x16xi32>,
      %swap3A_495 = vector.shape_cast %swap3A_494 : vector<1x16xi32> to vector<16xi32>
      %swap3A_496 = vector.shape_cast %add3A_491 : vector<16xi32> to vector<1x16xi32>
      tpu.vector_store %arg6[%swap3A_492, %swap3A_493], %swap3A_496 {strides = array<i32>} : memref<256x128xi32, #tpu.memory_space<vmem>>, vector<1x16xi32>,
      %add3A_497 = vector.broadcast %mul3A_475 : i32 to vector<16xi32>
      %add3A_498 = arith.addi %get3A_13, %add3A_497 : vector<16xi32>
      %swap3A_499 = arith.index_cast %add3A_433 : i32 to index
      %swap3A_500 = arith.constant 112 : index
      %swap3A_501 = tpu.vector_load %arg6[%swap3A_499, %swap3A_500] {strides = array<i32>} : memref<256x128xi32, #tpu.memory_space<vmem>>, vector<1x16xi32>,
      %swap3A_502 = vector.shape_cast %swap3A_501 : vector<1x16xi32> to vector<16xi32>
      %swap3A_503 = vector.shape_cast %add3A_498 : vector<16xi32> to vector<1x16xi32>
      tpu.vector_store %arg6[%swap3A_499, %swap3A_500], %swap3A_503 {strides = array<i32>} : memref<256x128xi32, #tpu.memory_space<vmem>>, vector<1x16xi32>,
      %mul3A_504 = arith.constant 128 : i32
      %mul3A_505 = arith.muli %add3A_433, %mul3A_504 : i32
      %dma_start3A_506 = tpu.memref_slice %arg7[%mul3A_505] : memref<32768xf32, #tpu.memory_space<vmem>> -> memref<128xf32, #tpu.memory_space<vmem>>
      %dma_start3A_507 = arith.constant 0 : i32
      %dma_start3A_508 = tpu.memref_slice %arg6[%add3A_433, %dma_start3A_507] : memref<256x128xi32, #tpu.memory_space<vmem>> -> memref<1x128xi32, #tpu.memory_space<vmem>>
      %dma_start3A_509 = tpu.memref_squeeze %dma_start3A_508 : memref<1x128xi32, #tpu.memory_space<vmem>> -> memref<128xi32, #tpu.memory_space<vmem>>
      %dma_start3A_510 = arith.constant 0 : i32
      %dma_start3A_511 = tpu.memref_slice %arg2[%dma_start3A_510] : memref<67108864xf32, #tpu.memory_space<hbm>> -> memref<67108864xf32, #tpu.memory_space<hbm>>
      tpu.enqueue_indirect_dma source(%dma_start3A_511 : memref<67108864xf32, #tpu.memory_space<hbm>>) target(%dma_start3A_506 : memref<128xf32, #tpu.memory_space<vmem>>) offsets(%dma_start3A_509 : memref<128xi32, #tpu.memory_space<vmem>>) semaphore(%arg8 : memref<!tpu.dma_semaphore, #tpu.memory_space<semaphore_mem>>)
      %mul3A_512 = arith.constant 8 : i32
      %mul3A_513 = arith.muli %scan3A_21, %mul3A_512 : i32
      %add3A_514 = arith.constant 6 : i32
      %add3A_515 = arith.addi %mul3A_513, %add3A_514 : i32
      %mul3A_516 = arith.constant 2 : i32
      %mul3A_517 = arith.muli %add3A_515, %mul3A_516 : i32
      %add3A_518 = arith.addi %mul3A_2, %mul3A_517 : i32
      %add3A_519 = arith.constant 0 : i32
      %add3A_520 = arith.addi %add3A_518, %add3A_519 : i32
      %mul3A_521 = arith.constant 4096 : i32
      %mul3A_522 = arith.muli %add3A_520, %mul3A_521 : i32
      %add3A_523 = vector.broadcast %mul3A_522 : i32 to vector<16xi32>
      %add3A_524 = arith.addi %get3A_4, %add3A_523 : vector<16xi32>
      %swap3A_525 = arith.index_cast %add3A_515 : i32 to index
      %swap3A_526 = arith.constant 0 : index
      %swap3A_527 = tpu.vector_load %arg6[%swap3A_525, %swap3A_526] {strides = array<i32>} : memref<256x128xi32, #tpu.memory_space<vmem>>, vector<1x16xi32>,
      %swap3A_528 = vector.shape_cast %swap3A_527 : vector<1x16xi32> to vector<16xi32>
      %swap3A_529 = vector.shape_cast %add3A_524 : vector<16xi32> to vector<1x16xi32>
      tpu.vector_store %arg6[%swap3A_525, %swap3A_526], %swap3A_529 {strides = array<i32>} : memref<256x128xi32, #tpu.memory_space<vmem>>, vector<1x16xi32>,
      %add3A_530 = vector.broadcast %mul3A_522 : i32 to vector<16xi32>
      %add3A_531 = arith.addi %get3A_7, %add3A_530 : vector<16xi32>
      %swap3A_532 = arith.index_cast %add3A_515 : i32 to index
      %swap3A_533 = arith.constant 16 : index
      %swap3A_534 = tpu.vector_load %arg6[%swap3A_532, %swap3A_533] {strides = array<i32>} : memref<256x128xi32, #tpu.memory_space<vmem>>, vector<1x16xi32>,
      %swap3A_535 = vector.shape_cast %swap3A_534 : vector<1x16xi32> to vector<16xi32>
      %swap3A_536 = vector.shape_cast %add3A_531 : vector<16xi32> to vector<1x16xi32>
      tpu.vector_store %arg6[%swap3A_532, %swap3A_533], %swap3A_536 {strides = array<i32>} : memref<256x128xi32, #tpu.memory_space<vmem>>, vector<1x16xi32>,
      %add3A_537 = vector.broadcast %mul3A_522 : i32 to vector<16xi32>
      %add3A_538 = arith.addi %get3A_10, %add3A_537 : vector<16xi32>
      %swap3A_539 = arith.index_cast %add3A_515 : i32 to index
      %swap3A_540 = arith.constant 32 : index
      %swap3A_541 = tpu.vector_load %arg6[%swap3A_539, %swap3A_540] {strides = array<i32>} : memref<256x128xi32, #tpu.memory_space<vmem>>, vector<1x16xi32>,
      %swap3A_542 = vector.shape_cast %swap3A_541 : vector<1x16xi32> to vector<16xi32>
      %swap3A_543 = vector.shape_cast %add3A_538 : vector<16xi32> to vector<1x16xi32>
      tpu.vector_store %arg6[%swap3A_539, %swap3A_540], %swap3A_543 {strides = array<i32>} : memref<256x128xi32, #tpu.memory_space<vmem>>, vector<1x16xi32>,
      %add3A_544 = vector.broadcast %mul3A_522 : i32 to vector<16xi32>
      %add3A_545 = arith.addi %get3A_13, %add3A_544 : vector<16xi32>
      %swap3A_546 = arith.index_cast %add3A_515 : i32 to index
      %swap3A_547 = arith.constant 48 : index
      %swap3A_548 = tpu.vector_load %arg6[%swap3A_546, %swap3A_547] {strides = array<i32>} : memref<256x128xi32, #tpu.memory_space<vmem>>, vector<1x16xi32>,
      %swap3A_549 = vector.shape_cast %swap3A_548 : vector<1x16xi32> to vector<16xi32>
      %swap3A_550 = vector.shape_cast %add3A_545 : vector<16xi32> to vector<1x16xi32>
      tpu.vector_store %arg6[%swap3A_546, %swap3A_547], %swap3A_550 {strides = array<i32>} : memref<256x128xi32, #tpu.memory_space<vmem>>, vector<1x16xi32>,
      %mul3A_551 = arith.constant 2 : i32
      %mul3A_552 = arith.muli %add3A_515, %mul3A_551 : i32
      %add3A_553 = arith.addi %mul3A_2, %mul3A_552 : i32
      %add3A_554 = arith.constant 1 : i32
      %add3A_555 = arith.addi %add3A_553, %add3A_554 : i32
      %mul3A_556 = arith.constant 4096 : i32
      %mul3A_557 = arith.muli %add3A_555, %mul3A_556 : i32
      %add3A_558 = vector.broadcast %mul3A_557 : i32 to vector<16xi32>
      %add3A_559 = arith.addi %get3A_4, %add3A_558 : vector<16xi32>
      %swap3A_560 = arith.index_cast %add3A_515 : i32 to index
      %swap3A_561 = arith.constant 64 : index
      %swap3A_562 = tpu.vector_load %arg6[%swap3A_560, %swap3A_561] {strides = array<i32>} : memref<256x128xi32, #tpu.memory_space<vmem>>, vector<1x16xi32>,
      %swap3A_563 = vector.shape_cast %swap3A_562 : vector<1x16xi32> to vector<16xi32>
      %swap3A_564 = vector.shape_cast %add3A_559 : vector<16xi32> to vector<1x16xi32>
      tpu.vector_store %arg6[%swap3A_560, %swap3A_561], %swap3A_564 {strides = array<i32>} : memref<256x128xi32, #tpu.memory_space<vmem>>, vector<1x16xi32>,
      %add3A_565 = vector.broadcast %mul3A_557 : i32 to vector<16xi32>
      %add3A_566 = arith.addi %get3A_7, %add3A_565 : vector<16xi32>
      %swap3A_567 = arith.index_cast %add3A_515 : i32 to index
      %swap3A_568 = arith.constant 80 : index
      %swap3A_569 = tpu.vector_load %arg6[%swap3A_567, %swap3A_568] {strides = array<i32>} : memref<256x128xi32, #tpu.memory_space<vmem>>, vector<1x16xi32>,
      %swap3A_570 = vector.shape_cast %swap3A_569 : vector<1x16xi32> to vector<16xi32>
      %swap3A_571 = vector.shape_cast %add3A_566 : vector<16xi32> to vector<1x16xi32>
      tpu.vector_store %arg6[%swap3A_567, %swap3A_568], %swap3A_571 {strides = array<i32>} : memref<256x128xi32, #tpu.memory_space<vmem>>, vector<1x16xi32>,
      %add3A_572 = vector.broadcast %mul3A_557 : i32 to vector<16xi32>
      %add3A_573 = arith.addi %get3A_10, %add3A_572 : vector<16xi32>
      %swap3A_574 = arith.index_cast %add3A_515 : i32 to index
      %swap3A_575 = arith.constant 96 : index
      %swap3A_576 = tpu.vector_load %arg6[%swap3A_574, %swap3A_575] {strides = array<i32>} : memref<256x128xi32, #tpu.memory_space<vmem>>, vector<1x16xi32>,
      %swap3A_577 = vector.shape_cast %swap3A_576 : vector<1x16xi32> to vector<16xi32>
      %swap3A_578 = vector.shape_cast %add3A_573 : vector<16xi32> to vector<1x16xi32>
      tpu.vector_store %arg6[%swap3A_574, %swap3A_575], %swap3A_578 {strides = array<i32>} : memref<256x128xi32, #tpu.memory_space<vmem>>, vector<1x16xi32>,
      %add3A_579 = vector.broadcast %mul3A_557 : i32 to vector<16xi32>
      %add3A_580 = arith.addi %get3A_13, %add3A_579 : vector<16xi32>
      %swap3A_581 = arith.index_cast %add3A_515 : i32 to index
      %swap3A_582 = arith.constant 112 : index
      %swap3A_583 = tpu.vector_load %arg6[%swap3A_581, %swap3A_582] {strides = array<i32>} : memref<256x128xi32, #tpu.memory_space<vmem>>, vector<1x16xi32>,
      %swap3A_584 = vector.shape_cast %swap3A_583 : vector<1x16xi32> to vector<16xi32>
      %swap3A_585 = vector.shape_cast %add3A_580 : vector<16xi32> to vector<1x16xi32>
      tpu.vector_store %arg6[%swap3A_581, %swap3A_582], %swap3A_585 {strides = array<i32>} : memref<256x128xi32, #tpu.memory_space<vmem>>, vector<1x16xi32>,
      %mul3A_586 = arith.constant 128 : i32
      %mul3A_587 = arith.muli %add3A_515, %mul3A_586 : i32
      %dma_start3A_588 = tpu.memref_slice %arg7[%mul3A_587] : memref<32768xf32, #tpu.memory_space<vmem>> -> memref<128xf32, #tpu.memory_space<vmem>>
      %dma_start3A_589 = arith.constant 0 : i32
      %dma_start3A_590 = tpu.memref_slice %arg6[%add3A_515, %dma_start3A_589] : memref<256x128xi32, #tpu.memory_space<vmem>> -> memref<1x128xi32, #tpu.memory_space<vmem>>
      %dma_start3A_591 = tpu.memref_squeeze %dma_start3A_590 : memref<1x128xi32, #tpu.memory_space<vmem>> -> memref<128xi32, #tpu.memory_space<vmem>>
      %dma_start3A_592 = arith.constant 0 : i32
      %dma_start3A_593 = tpu.memref_slice %arg2[%dma_start3A_592] : memref<67108864xf32, #tpu.memory_space<hbm>> -> memref<67108864xf32, #tpu.memory_space<hbm>>
      tpu.enqueue_indirect_dma source(%dma_start3A_593 : memref<67108864xf32, #tpu.memory_space<hbm>>) target(%dma_start3A_588 : memref<128xf32, #tpu.memory_space<vmem>>) offsets(%dma_start3A_591 : memref<128xi32, #tpu.memory_space<vmem>>) semaphore(%arg8 : memref<!tpu.dma_semaphore, #tpu.memory_space<semaphore_mem>>)
      %mul3A_594 = arith.constant 8 : i32
      %mul3A_595 = arith.muli %scan3A_21, %mul3A_594 : i32
      %add3A_596 = arith.constant 7 : i32
      %add3A_597 = arith.addi %mul3A_595, %add3A_596 : i32
      %mul3A_598 = arith.constant 2 : i32
      %mul3A_599 = arith.muli %add3A_597, %mul3A_598 : i32
      %add3A_600 = arith.addi %mul3A_2, %mul3A_599 : i32
      %add3A_601 = arith.constant 0 : i32
      %add3A_602 = arith.addi %add3A_600, %add3A_601 : i32
      %mul3A_603 = arith.constant 4096 : i32
      %mul3A_604 = arith.muli %add3A_602, %mul3A_603 : i32
      %add3A_605 = vector.broadcast %mul3A_604 : i32 to vector<16xi32>
      %add3A_606 = arith.addi %get3A_4, %add3A_605 : vector<16xi32>
      %swap3A_607 = arith.index_cast %add3A_597 : i32 to index
      %swap3A_608 = arith.constant 0 : index
      %swap3A_609 = tpu.vector_load %arg6[%swap3A_607, %swap3A_608] {strides = array<i32>} : memref<256x128xi32, #tpu.memory_space<vmem>>, vector<1x16xi32>,
      %swap3A_610 = vector.shape_cast %swap3A_609 : vector<1x16xi32> to vector<16xi32>
      %swap3A_611 = vector.shape_cast %add3A_606 : vector<16xi32> to vector<1x16xi32>
      tpu.vector_store %arg6[%swap3A_607, %swap3A_608], %swap3A_611 {strides = array<i32>} : memref<256x128xi32, #tpu.memory_space<vmem>>, vector<1x16xi32>,
      %add3A_612 = vector.broadcast %mul3A_604 : i32 to vector<16xi32>
      %add3A_613 = arith.addi %get3A_7, %add3A_612 : vector<16xi32>
      %swap3A_614 = arith.index_cast %add3A_597 : i32 to index
      %swap3A_615 = arith.constant 16 : index
      %swap3A_616 = tpu.vector_load %arg6[%swap3A_614, %swap3A_615] {strides = array<i32>} : memref<256x128xi32, #tpu.memory_space<vmem>>, vector<1x16xi32>,
      %swap3A_617 = vector.shape_cast %swap3A_616 : vector<1x16xi32> to vector<16xi32>
      %swap3A_618 = vector.shape_cast %add3A_613 : vector<16xi32> to vector<1x16xi32>
      tpu.vector_store %arg6[%swap3A_614, %swap3A_615], %swap3A_618 {strides = array<i32>} : memref<256x128xi32, #tpu.memory_space<vmem>>, vector<1x16xi32>,
      %add3A_619 = vector.broadcast %mul3A_604 : i32 to vector<16xi32>
      %add3A_620 = arith.addi %get3A_10, %add3A_619 : vector<16xi32>
      %swap3A_621 = arith.index_cast %add3A_597 : i32 to index
      %swap3A_622 = arith.constant 32 : index
      %swap3A_623 = tpu.vector_load %arg6[%swap3A_621, %swap3A_622] {strides = array<i32>} : memref<256x128xi32, #tpu.memory_space<vmem>>, vector<1x16xi32>,
      %swap3A_624 = vector.shape_cast %swap3A_623 : vector<1x16xi32> to vector<16xi32>
      %swap3A_625 = vector.shape_cast %add3A_620 : vector<16xi32> to vector<1x16xi32>
      tpu.vector_store %arg6[%swap3A_621, %swap3A_622], %swap3A_625 {strides = array<i32>} : memref<256x128xi32, #tpu.memory_space<vmem>>, vector<1x16xi32>,
      %add3A_626 = vector.broadcast %mul3A_604 : i32 to vector<16xi32>
      %add3A_627 = arith.addi %get3A_13, %add3A_626 : vector<16xi32>
      %swap3A_628 = arith.index_cast %add3A_597 : i32 to index
      %swap3A_629 = arith.constant 48 : index
      %swap3A_630 = tpu.vector_load %arg6[%swap3A_628, %swap3A_629] {strides = array<i32>} : memref<256x128xi32, #tpu.memory_space<vmem>>, vector<1x16xi32>,
      %swap3A_631 = vector.shape_cast %swap3A_630 : vector<1x16xi32> to vector<16xi32>
      %swap3A_632 = vector.shape_cast %add3A_627 : vector<16xi32> to vector<1x16xi32>
      tpu.vector_store %arg6[%swap3A_628, %swap3A_629], %swap3A_632 {strides = array<i32>} : memref<256x128xi32, #tpu.memory_space<vmem>>, vector<1x16xi32>,
      %mul3A_633 = arith.constant 2 : i32
      %mul3A_634 = arith.muli %add3A_597, %mul3A_633 : i32
      %add3A_635 = arith.addi %mul3A_2, %mul3A_634 : i32
      %add3A_636 = arith.constant 1 : i32
      %add3A_637 = arith.addi %add3A_635, %add3A_636 : i32
      %mul3A_638 = arith.constant 4096 : i32
      %mul3A_639 = arith.muli %add3A_637, %mul3A_638 : i32
      %add3A_640 = vector.broadcast %mul3A_639 : i32 to vector<16xi32>
      %add3A_641 = arith.addi %get3A_4, %add3A_640 : vector<16xi32>
      %swap3A_642 = arith.index_cast %add3A_597 : i32 to index
      %swap3A_643 = arith.constant 64 : index
      %swap3A_644 = tpu.vector_load %arg6[%swap3A_642, %swap3A_643] {strides = array<i32>} : memref<256x128xi32, #tpu.memory_space<vmem>>, vector<1x16xi32>,
      %swap3A_645 = vector.shape_cast %swap3A_644 : vector<1x16xi32> to vector<16xi32>
      %swap3A_646 = vector.shape_cast %add3A_641 : vector<16xi32> to vector<1x16xi32>
      tpu.vector_store %arg6[%swap3A_642, %swap3A_643], %swap3A_646 {strides = array<i32>} : memref<256x128xi32, #tpu.memory_space<vmem>>, vector<1x16xi32>,
      %add3A_647 = vector.broadcast %mul3A_639 : i32 to vector<16xi32>
      %add3A_648 = arith.addi %get3A_7, %add3A_647 : vector<16xi32>
      %swap3A_649 = arith.index_cast %add3A_597 : i32 to index
      %swap3A_650 = arith.constant 80 : index
      %swap3A_651 = tpu.vector_load %arg6[%swap3A_649, %swap3A_650] {strides = array<i32>} : memref<256x128xi32, #tpu.memory_space<vmem>>, vector<1x16xi32>,
      %swap3A_652 = vector.shape_cast %swap3A_651 : vector<1x16xi32> to vector<16xi32>
      %swap3A_653 = vector.shape_cast %add3A_648 : vector<16xi32> to vector<1x16xi32>
      tpu.vector_store %arg6[%swap3A_649, %swap3A_650], %swap3A_653 {strides = array<i32>} : memref<256x128xi32, #tpu.memory_space<vmem>>, vector<1x16xi32>,
      %add3A_654 = vector.broadcast %mul3A_639 : i32 to vector<16xi32>
      %add3A_655 = arith.addi %get3A_10, %add3A_654 : vector<16xi32>
      %swap3A_656 = arith.index_cast %add3A_597 : i32 to index
      %swap3A_657 = arith.constant 96 : index
      %swap3A_658 = tpu.vector_load %arg6[%swap3A_656, %swap3A_657] {strides = array<i32>} : memref<256x128xi32, #tpu.memory_space<vmem>>, vector<1x16xi32>,
      %swap3A_659 = vector.shape_cast %swap3A_658 : vector<1x16xi32> to vector<16xi32>
      %swap3A_660 = vector.shape_cast %add3A_655 : vector<16xi32> to vector<1x16xi32>
      tpu.vector_store %arg6[%swap3A_656, %swap3A_657], %swap3A_660 {strides = array<i32>} : memref<256x128xi32, #tpu.memory_space<vmem>>, vector<1x16xi32>,
      %add3A_661 = vector.broadcast %mul3A_639 : i32 to vector<16xi32>
      %add3A_662 = arith.addi %get3A_13, %add3A_661 : vector<16xi32>
      %swap3A_663 = arith.index_cast %add3A_597 : i32 to index
      %swap3A_664 = arith.constant 112 : index
      %swap3A_665 = tpu.vector_load %arg6[%swap3A_663, %swap3A_664] {strides = array<i32>} : memref<256x128xi32, #tpu.memory_space<vmem>>, vector<1x16xi32>,
      %swap3A_666 = vector.shape_cast %swap3A_665 : vector<1x16xi32> to vector<16xi32>
      %swap3A_667 = vector.shape_cast %add3A_662 : vector<16xi32> to vector<1x16xi32>
      tpu.vector_store %arg6[%swap3A_663, %swap3A_664], %swap3A_667 {strides = array<i32>} : memref<256x128xi32, #tpu.memory_space<vmem>>, vector<1x16xi32>,
      %mul3A_668 = arith.constant 128 : i32
      %mul3A_669 = arith.muli %add3A_597, %mul3A_668 : i32
      %dma_start3A_670 = tpu.memref_slice %arg7[%mul3A_669] : memref<32768xf32, #tpu.memory_space<vmem>> -> memref<128xf32, #tpu.memory_space<vmem>>
      %dma_start3A_671 = arith.constant 0 : i32
      %dma_start3A_672 = tpu.memref_slice %arg6[%add3A_597, %dma_start3A_671] : memref<256x128xi32, #tpu.memory_space<vmem>> -> memref<1x128xi32, #tpu.memory_space<vmem>>
      %dma_start3A_673 = tpu.memref_squeeze %dma_start3A_672 : memref<1x128xi32, #tpu.memory_space<vmem>> -> memref<128xi32, #tpu.memory_space<vmem>>
      %dma_start3A_674 = arith.constant 0 : i32
      %dma_start3A_675 = tpu.memref_slice %arg2[%dma_start3A_674] : memref<67108864xf32, #tpu.memory_space<hbm>> -> memref<67108864xf32, #tpu.memory_space<hbm>>
      tpu.enqueue_indirect_dma source(%dma_start3A_675 : memref<67108864xf32, #tpu.memory_space<hbm>>) target(%dma_start3A_670 : memref<128xf32, #tpu.memory_space<vmem>>) offsets(%dma_start3A_673 : memref<128xi32, #tpu.memory_space<vmem>>) semaphore(%arg8 : memref<!tpu.dma_semaphore, #tpu.memory_space<semaphore_mem>>)
      %dma_wait3A = tpu.memref_slice %arg7[%mul3A_96] : memref<32768xf32, #tpu.memory_space<vmem>> -> memref<128xf32, #tpu.memory_space<vmem>>
      %dma_wait3A_676 = arith.constant 0 : i32
      %dma_wait3A_677 = tpu.memref_slice %arg6[%add3A_25, %dma_wait3A_676] : memref<256x128xi32, #tpu.memory_space<vmem>> -> memref<1x128xi32, #tpu.memory_space<vmem>>
      %dma_wait3A_678 = tpu.memref_squeeze %dma_wait3A_677 : memref<1x128xi32, #tpu.memory_space<vmem>> -> memref<128xi32, #tpu.memory_space<vmem>>
      %dma_wait3A_679 = arith.constant 0 : i32
      %dma_wait3A_680 = tpu.memref_slice %arg2[%dma_wait3A_679] : memref<67108864xf32, #tpu.memory_space<hbm>> -> memref<67108864xf32, #tpu.memory_space<hbm>>
      tpu.wait_indirect_dma semaphore(%arg8 : memref<!tpu.dma_semaphore, #tpu.memory_space<semaphore_mem>>) src(%dma_wait3A_680 : memref<67108864xf32, #tpu.memory_space<hbm>>) dst(%dma_wait3A : memref<128xf32, #tpu.memory_space<vmem>>)
      %dma_wait3A_681 = tpu.memref_slice %arg7[%mul3A_177] : memref<32768xf32, #tpu.memory_space<vmem>> -> memref<128xf32, #tpu.memory_space<vmem>>
      %dma_wait3A_682 = arith.constant 0 : i32
      %dma_wait3A_683 = tpu.memref_slice %arg6[%add3A_105, %dma_wait3A_682] : memref<256x128xi32, #tpu.memory_space<vmem>> -> memref<1x128xi32, #tpu.memory_space<vmem>>
      %dma_wait3A_684 = tpu.memref_squeeze %dma_wait3A_683 : memref<1x128xi32, #tpu.memory_space<vmem>> -> memref<128xi32, #tpu.memory_space<vmem>>
      %dma_wait3A_685 = arith.constant 0 : i32
      %dma_wait3A_686 = tpu.memref_slice %arg2[%dma_wait3A_685] : memref<67108864xf32, #tpu.memory_space<hbm>> -> memref<67108864xf32, #tpu.memory_space<hbm>>
      tpu.wait_indirect_dma semaphore(%arg8 : memref<!tpu.dma_semaphore, #tpu.memory_space<semaphore_mem>>) src(%dma_wait3A_686 : memref<67108864xf32, #tpu.memory_space<hbm>>) dst(%dma_wait3A_681 : memref<128xf32, #tpu.memory_space<vmem>>)
      %dma_wait3A_687 = tpu.memref_slice %arg7[%mul3A_259] : memref<32768xf32, #tpu.memory_space<vmem>> -> memref<128xf32, #tpu.memory_space<vmem>>
      %dma_wait3A_688 = arith.constant 0 : i32
      %dma_wait3A_689 = tpu.memref_slice %arg6[%add3A_187, %dma_wait3A_688] : memref<256x128xi32, #tpu.memory_space<vmem>> -> memref<1x128xi32, #tpu.memory_space<vmem>>
      %dma_wait3A_690 = tpu.memref_squeeze %dma_wait3A_689 : memref<1x128xi32, #tpu.memory_space<vmem>> -> memref<128xi32, #tpu.memory_space<vmem>>
      %dma_wait3A_691 = arith.constant 0 : i32
      %dma_wait3A_692 = tpu.memref_slice %arg2[%dma_wait3A_691] : memref<67108864xf32, #tpu.memory_space<hbm>> -> memref<67108864xf32, #tpu.memory_space<hbm>>
      tpu.wait_indirect_dma semaphore(%arg8 : memref<!tpu.dma_semaphore, #tpu.memory_space<semaphore_mem>>) src(%dma_wait3A_692 : memref<67108864xf32, #tpu.memory_space<hbm>>) dst(%dma_wait3A_687 : memref<128xf32, #tpu.memory_space<vmem>>)
      %dma_wait3A_693 = tpu.memref_slice %arg7[%mul3A_341] : memref<32768xf32, #tpu.memory_space<vmem>> -> memref<128xf32, #tpu.memory_space<vmem>>
      %dma_wait3A_694 = arith.constant 0 : i32
      %dma_wait3A_695 = tpu.memref_slice %arg6[%add3A_269, %dma_wait3A_694] : memref<256x128xi32, #tpu.memory_space<vmem>> -> memref<1x128xi32, #tpu.memory_space<vmem>>
      %dma_wait3A_696 = tpu.memref_squeeze %dma_wait3A_695 : memref<1x128xi32, #tpu.memory_space<vmem>> -> memref<128xi32, #tpu.memory_space<vmem>>
      %dma_wait3A_697 = arith.constant 0 : i32
      %dma_wait3A_698 = tpu.memref_slice %arg2[%dma_wait3A_697] : memref<67108864xf32, #tpu.memory_space<hbm>> -> memref<67108864xf32, #tpu.memory_space<hbm>>
      tpu.wait_indirect_dma semaphore(%arg8 : memref<!tpu.dma_semaphore, #tpu.memory_space<semaphore_mem>>) src(%dma_wait3A_698 : memref<67108864xf32, #tpu.memory_space<hbm>>) dst(%dma_wait3A_693 : memref<128xf32, #tpu.memory_space<vmem>>)
      %dma_wait3A_699 = tpu.memref_slice %arg7[%mul3A_423] : memref<32768xf32, #tpu.memory_space<vmem>> -> memref<128xf32, #tpu.memory_space<vmem>>
      %dma_wait3A_700 = arith.constant 0 : i32
      %dma_wait3A_701 = tpu.memref_slice %arg6[%add3A_351, %dma_wait3A_700] : memref<256x128xi32, #tpu.memory_space<vmem>> -> memref<1x128xi32, #tpu.memory_space<vmem>>
      %dma_wait3A_702 = tpu.memref_squeeze %dma_wait3A_701 : memref<1x128xi32, #tpu.memory_space<vmem>> -> memref<128xi32, #tpu.memory_space<vmem>>
      %dma_wait3A_703 = arith.constant 0 : i32
      %dma_wait3A_704 = tpu.memref_slice %arg2[%dma_wait3A_703] : memref<67108864xf32, #tpu.memory_space<hbm>> -> memref<67108864xf32, #tpu.memory_space<hbm>>
      tpu.wait_indirect_dma semaphore(%arg8 : memref<!tpu.dma_semaphore, #tpu.memory_space<semaphore_mem>>) src(%dma_wait3A_704 : memref<67108864xf32, #tpu.memory_space<hbm>>) dst(%dma_wait3A_699 : memref<128xf32, #tpu.memory_space<vmem>>)
      %dma_wait3A_705 = tpu.memref_slice %arg7[%mul3A_505] : memref<32768xf32, #tpu.memory_space<vmem>> -> memref<128xf32, #tpu.memory_space<vmem>>
      %dma_wait3A_706 = arith.constant 0 : i32
      %dma_wait3A_707 = tpu.memref_slice %arg6[%add3A_433, %dma_wait3A_706] : memref<256x128xi32, #tpu.memory_space<vmem>> -> memref<1x128xi32, #tpu.memory_space<vmem>>
      %dma_wait3A_708 = tpu.memref_squeeze %dma_wait3A_707 : memref<1x128xi32, #tpu.memory_space<vmem>> -> memref<128xi32, #tpu.memory_space<vmem>>
      %dma_wait3A_709 = arith.constant 0 : i32
      %dma_wait3A_710 = tpu.memref_slice %arg2[%dma_wait3A_709] : memref<67108864xf32, #tpu.memory_space<hbm>> -> memref<67108864xf32, #tpu.memory_space<hbm>>
      tpu.wait_indirect_dma semaphore(%arg8 : memref<!tpu.dma_semaphore, #tpu.memory_space<semaphore_mem>>) src(%dma_wait3A_710 : memref<67108864xf32, #tpu.memory_space<hbm>>) dst(%dma_wait3A_705 : memref<128xf32, #tpu.memory_space<vmem>>)
      %dma_wait3A_711 = tpu.memref_slice %arg7[%mul3A_587] : memref<32768xf32, #tpu.memory_space<vmem>> -> memref<128xf32, #tpu.memory_space<vmem>>
      %dma_wait3A_712 = arith.constant 0 : i32
      %dma_wait3A_713 = tpu.memref_slice %arg6[%add3A_515, %dma_wait3A_712] : memref<256x128xi32, #tpu.memory_space<vmem>> -> memref<1x128xi32, #tpu.memory_space<vmem>>
      %dma_wait3A_714 = tpu.memref_squeeze %dma_wait3A_713 : memref<1x128xi32, #tpu.memory_space<vmem>> -> memref<128xi32, #tpu.memory_space<vmem>>
      %dma_wait3A_715 = arith.constant 0 : i32
      %dma_wait3A_716 = tpu.memref_slice %arg2[%dma_wait3A_715] : memref<67108864xf32, #tpu.memory_space<hbm>> -> memref<67108864xf32, #tpu.memory_space<hbm>>
      tpu.wait_indirect_dma semaphore(%arg8 : memref<!tpu.dma_semaphore, #tpu.memory_space<semaphore_mem>>) src(%dma_wait3A_716 : memref<67108864xf32, #tpu.memory_space<hbm>>) dst(%dma_wait3A_711 : memref<128xf32, #tpu.memory_space<vmem>>)
      %dma_wait3A_717 = tpu.memref_slice %arg7[%mul3A_669] : memref<32768xf32, #tpu.memory_space<vmem>> -> memref<128xf32, #tpu.memory_space<vmem>>
      %dma_wait3A_718 = arith.constant 0 : i32
      %dma_wait3A_719 = tpu.memref_slice %arg6[%add3A_597, %dma_wait3A_718] : memref<256x128xi32, #tpu.memory_space<vmem>> -> memref<1x128xi32, #tpu.memory_space<vmem>>
      %dma_wait3A_720 = tpu.memref_squeeze %dma_wait3A_719 : memref<1x128xi32, #tpu.memory_space<vmem>> -> memref<128xi32, #tpu.memory_space<vmem>>
      %dma_wait3A_721 = arith.constant 0 : i32
      %dma_wait3A_722 = tpu.memref_slice %arg2[%dma_wait3A_721] : memref<67108864xf32, #tpu.memory_space<hbm>> -> memref<67108864xf32, #tpu.memory_space<hbm>>
      tpu.wait_indirect_dma semaphore(%arg8 : memref<!tpu.dma_semaphore, #tpu.memory_space<semaphore_mem>>) src(%dma_wait3A_722 : memref<67108864xf32, #tpu.memory_space<hbm>>) dst(%dma_wait3A_717 : memref<128xf32, #tpu.memory_space<vmem>>)
    }
    %scan3A_18 = arith.constant 32 : i32
    %mul3A_19 = arith.constant 64 : i32
    %mul3A_20 = arith.muli %mul3A_2, %mul3A_19 : i32
    "tpu.region"() ({
      %run_scoped3A = tpu.sem_alloc : memref<!tpu.dma_semaphore, #tpu.memory_space<semaphore_mem>>
      %dma_start3A = tpu.memref_slice %arg4[%mul3A_20] : memref<1048576xf32, #tpu.memory_space<hbm>> -> memref<32768xf32, #tpu.memory_space<hbm>>
      %dma_start3A_21 = tpu.memref_slice %arg4[%mul3A_20] : memref<1048576xf32, #tpu.memory_space<hbm>> -> memref<32768xf32, #tpu.memory_space<hbm>>
      tpu.enqueue_dma source(%arg7 : memref<32768xf32, #tpu.memory_space<vmem>>) target(%dma_start3A_21 : memref<32768xf32, #tpu.memory_space<hbm>>) target_semaphore(%run_scoped3A : memref<!tpu.dma_semaphore, #tpu.memory_space<semaphore_mem>>)
      %dma_wait3A = tpu.memref_slice %arg4[%mul3A_20] : memref<1048576xf32, #tpu.memory_space<hbm>> -> memref<32768xf32, #tpu.memory_space<hbm>>
      %dma_wait3A_22 = tpu.memref_slice %arg4[%mul3A_20] : memref<1048576xf32, #tpu.memory_space<hbm>> -> memref<32768xf32, #tpu.memory_space<hbm>>
      tpu.wait_dma2 semaphore(%run_scoped3A : memref<!tpu.dma_semaphore, #tpu.memory_space<semaphore_mem>>) src(%arg7 : memref<32768xf32, #tpu.memory_space<vmem>>) dst(%dma_wait3A_22 : memref<32768xf32, #tpu.memory_space<hbm>>)
      tpu.yield
    }) : () -> ()
    return
  }
}

</mosaic_0001>

<sc_bundles>
// kernel: kernel.3.cloned.1.call-start
scs
__scs_entry_jumppad:
0x0: {  	(pc) =	sbr.rel $0x88, $3  }
0x1: {  	(tag) =	ssettag $0x0;
	lr =	simm.s32 $0x1  }
0x2: {  	[smem:$0x3F9F] =	sst lr;
	_ =	strace $0xD0000000  }
0x3: {  	_ = 	snop  }
0x4: {  	_ = 	snop  }
0x5: {  	_ = 	snop  }
0x6: {  	_ = 	snop  }
0x7: {  	_ = 	snop  }
__scs_overlays_trampoline_lowered:
0x8: {  	[smem:$0x3FAE] =	sst s0  }
0x9: {  	[smem:$0x3FAF] =	sst s1  }
0xa: {  	[smem:$0x3FB0] =	sst s2  }
0xb: {  	[smem:$0x3FB1] =	sst s3  }
0xc: {  	[smem:$0x3FB2] =	sst s4  }
0xd: {  	[smem:$0x3FB3] =	sst s5  }
0xe: {  	[smem:$0x3FB4] =	sst s6  }
0xf: {  	[smem:$0x3FB5] =	sst s7  }
0x10: {  	[smem:$0x3FB6] =	sst s8  }
0x11: {  	[smem:$0x3FB7] =	sst s9;
	s0 =	simm.s32 @!p0 $0x0  }
0x12: {  	s1 =	sld [smem:$0x3F9D];
	s0 =	simm.s32 @p0 $0x1  }
0x13: {  	[smem:$0x3FB8] =	sst s0;
	s0 =	simm.s32 @!p1 $0x0  }
0x14: {  	s2 =	sld [smem:$0x3F9C];
	s0 =	simm.s32 @p1 $0x1  }
0x15: {  	[smem:$0x3FB9] =	sst s0;
	s0 =	simm.s32 @!p2 $0x0  }
0x16: {  	s3 =	sld [smem:$0x3FDB];
	s0 =	simm.s32 @p2 $0x1  }
0x17: {  	s4 =	simm.s32 $0x1BF5;
	[smem:$0x3FBB] =	sst s0  }
0x18: {  	s0 =	sld [smem:$0x3F9E];
	_ =	swait.ge [sflag:s4], $0x0  }
0x19: {  	s7 =	sld [smem:$0x3F9F]  }
0x1a: {  	s8 =	sadd.s32 $0xFFFFE003, lr  }
0x1b: {  	s9 =	sadd.s32 $0xFFFFFEF7, lr;
	s5 =	simm.s32 $0xFFFFFFFF;
	p2 =	slt.u32 s8, $0xFFFFF086  }
0x1c: {  	p1 =	slt.u32 s9, $0xF7A;
	s5 =	simm.s32 @!p2 $0x0  }
0x1d: {  	s5 =	simm.s32 @p1 $0x1;
	p0 =	seq.s32 s7, s2  }
0x1e: {  	s7 =	smul.u32 @!p0 $0xF7A, s2;
	p2 =	seq.s32 @!p0 s5, $0x0  }
0x1f: {  	s9 =	smul.u32 $0xF7A, s1;
	s8 =	simm.s32 @!p0 $0x1BF5;
	p2 =	por !p2, p0  }
0x20: {  	[sflag:s8] =	ssyncset.s32 @!p0 $0xFFFFF086;
	s6 =	sadd.s32 @!p0 s3, s7;
	s7 =	simm.s32 @!p0 $0x108  }
0x21: {  	s3 =	sadd.s32 s3, s9;
	s6 =	sadd.s32 @!p0 $0x88, s6;
	s7 =	simm.s32 @p2 $0x1082  }
0x22: {  	[simem:s7], [sflag:s8] =	dma.local @!p0 [hbm:s6], $0xF7A  }
0x23: {  	s9 =	sor.u32 $0xD0000000, s2;
	s6 =	simm.s32 $0x108;
	_ =	swait.ge @!p0 [sflag:s8], $0x0  }
0x24: {  	s3 =	sadd.s32 $0x88, s3;
	s6 =	simm.s32 @!p1 $0x1082;
	[sflag:s4] =	ssyncset.s32 $0xFFFFF086  }
0x25: {  	[simem:s6], [sflag:s4] =	dma.local [hbm:s3], $0xF7A  }
0x26: {  	[smem:$0x3F9F] =	sst s1;
	(tag) =	ssettag s2;
	_ =	strace s9  }
0x27: {  	s1 =	sld [smem:$0x3FAF]  }
0x28: {  	s2 =	sld [smem:$0x3FB0]  }
0x29: {  	s4 =	sld [smem:$0x3FB2]  }
0x2a: {  	p0 =	seq.s32 s5, $0x0;
	s5 =	sld [smem:$0x3FB3]  }
0x2b: {  	s6 =	sld [smem:$0x3FB4]  }
0x2c: {  	s7 =	sld [smem:$0x3FB5]  }
0x2d: {  	s3 =	simm.s32 $0x108;
	s8 =	sld [smem:$0x3FB6]  }
0x2e: {  	s3 =	simm.s32 @!p0 $0x1082;
	s9 =	sld [smem:$0x3FB7]  }
0x2f: {  	lr =	sadd.s32 s0, s3;
	s0 =	sld [smem:$0x3FAE]  }
0x30: {  	s3 =	sld [smem:$0x3FB1]  }
0x31: {  	[smem:$0x3FBA] =	sst s10  }
0x32: {  	s10 =	sld [smem:$0x3FB8];
	_ =	sdelay $0x3  }
0x33: {  	p0 =	seq.s32 s10, $0x1;
	s10 =	sld [smem:$0x3FBA];
	_ =	sdelay $0x3  }
0x34: {  	[smem:$0x3FBA] =	sst s10  }
0x35: {  	s10 =	sld [smem:$0x3FB9];
	_ =	sdelay $0x3  }
0x36: {  	p1 =	seq.s32 s10, $0x1;
	s10 =	sld [smem:$0x3FBA];
	_ =	sdelay $0x3  }
0x37: {  	[smem:$0x3FBA] =	sst s10  }
0x38: {  	s10 =	sld [smem:$0x3FBB]  }
0x39: {  	_ = 	snop;
	(pc) =	sbr.ind lr, $3  }
0x3a: {  	_ = 	snop  }
0x3b: {  	_ = 	snop  }
0x3c: {  	p2 =	seq.s32 s10, $0x1;
	s10 =	sld [smem:$0x3FBA]  }
0x3d: {  	_ =	shalt  }
0x3e: {  	_ =	shalt  }
0x3f: {  	_ =	shalt  }
0x40: {  	_ =	shalt  }
0x41: {  	_ =	shalt  }
0x42: {  	_ =	shalt  }
0x43: {  	_ =	shalt  }
0x44: {  	_ =	shalt  }
0x45: {  	_ =	shalt  }
0x46: {  	_ =	shalt  }
0x47: {  	_ =	shalt  }
0x48: {  	_ =	shalt  }
0x49: {  	_ =	shalt  }
0x4a: {  	_ =	shalt  }
0x4b: {  	_ =	shalt  }
0x4c: {  	_ =	shalt  }
0x4d: {  	_ =	shalt  }
0x4e: {  	_ =	shalt  }
0x4f: {  	_ =	shalt  }
0x50: {  	_ =	shalt  }
0x51: {  	_ =	shalt  }
0x52: {  	_ =	shalt  }
0x53: {  	_ =	shalt  }
0x54: {  	_ =	shalt  }
0x55: {  	_ =	shalt  }
0x56: {  	_ =	shalt  }
0x57: {  	_ =	shalt  }
0x58: {  	_ =	shalt  }
0x59: {  	_ =	shalt  }
0x5a: {  	_ =	shalt  }
0x5b: {  	_ =	shalt  }
0x5c: {  	_ =	shalt  }
0x5d: {  	_ =	shalt  }
0x5e: {  	_ =	shalt  }
0x5f: {  	_ =	shalt  }
0x60: {  	_ =	shalt  }
0x61: {  	_ =	shalt  }
0x62: {  	_ =	shalt  }
0x63: {  	_ =	shalt  }
0x64: {  	_ =	shalt  }
0x65: {  	_ =	shalt  }
0x66: {  	_ =	shalt  }
0x67: {  	_ =	shalt  }
0x68: {  	_ =	shalt  }
0x69: {  	_ =	shalt  }
0x6a: {  	_ =	shalt  }
0x6b: {  	_ =	shalt  }
0x6c: {  	_ =	shalt  }
0x6d: {  	_ =	shalt  }
0x6e: {  	_ =	shalt  }
0x6f: {  	_ =	shalt  }
0x70: {  	_ =	shalt  }
0x71: {  	_ =	shalt  }
0x72: {  	_ =	shalt  }
0x73: {  	_ =	shalt  }
0x74: {  	_ =	shalt  }
0x75: {  	_ =	shalt  }
0x76: {  	_ =	shalt  }
0x77: {  	_ =	shalt  }
0x78: {  	_ =	shalt  }
0x79: {  	_ =	shalt  }
0x7a: {  	_ =	shalt  }
0x7b: {  	_ =	shalt  }
0x7c: {  	_ =	shalt  }
0x7d: {  	_ =	shalt  }
0x7e: {  	_ =	shalt  }
0x7f: {  	_ =	shalt  }
0x80: {  	_ =	shalt  }
0x81: {  	_ =	shalt  }
0x82: {  	_ =	shalt  }
0x83: {  	_ =	shalt  }
0x84: {  	_ =	shalt  }
0x85: {  	_ =	shalt  }
0x86: {  	_ =	shalt  }
0x87: {  	_ =	shalt  }
.Lfunc_end0:
.L_simem_size_0:
called_computation.1_lowered:
.L_overlay_start_0:
0x88: {  	s2 =	sld [smem:$0x3FD9]  }
0x89: {  	s3 =	sld [smem:$0x3FFE];
	_ =	sdelay $0x1  }
0x8a: {  	s1 =	srdreg.scid  }
0x8b: {  	s0 =	sand.u32 $0x1, s1  }
0x8c: {  	s17 =	sshll.u32 s0, $0xA;
	s2 =	sadd.s32 s3, s2  }
0x8d: {  	s2 =	sadd.s32 s2, s17  }
0x8e: {  	[smem:$0x3FC6] =	sst s2  }
0x8f: {  	_ = 	snop  }
0x90: {  	s2 =	sld [smem:$0x3FC8]  }
0x91: {  	s18 =	sld [smem:$0x3FD0];
	(tm) =	ssettm $0x1  }
0x92: {  	s4 =	sld [smem:$0x3FFB];
	_ =	sdelay $0x3  }
0x93: {  	_ =	strace s4  }
0x94: {  	s4 =	sld [smem:$0x3FFC];
	_ =	sdelay $0x3  }
0x95: {  	_ =	strace s4  }
0x96: {  	s4 =	sld [smem:$0x3FFD];
	_ =	sdelay $0x3  }
0x97: {  	_ =	strace s4  }
0x98: {  	_ =	strace $0x8FFFFFFF  }
0x99: {  	s19 =	sld [smem:$0x3FDB];
	_ =	sdelay $0x1  }
0x9a: {  	s5 =	simm.s32 $_scs_section_size  }
0x9b: {  	s6 =	simm.s32 $_size__tile_overlayer_lowered;
	s7 =	simm.s32 $_tile_overlayer_lowered  }
0x9c: {  	s22 =	simm.s32 $0x1BFF;
	s21 =	sshll.u32 s7, $0x1;
	s4 =	sadd.s32 s5, s19  }
0x9d: {  	s8 =	simm.s32 $0x0;
	s20 =	sshll.u32 s6, $0x1;
	s6 =	sadd.s32 s21, s4  }
0x9e: {  	[timem:s8], [sflag:s22] =	dma.local [hbm:s6], s20  }
0x9f: {  	_ =	swait.ge [sflag:s22], s20  }
0xa0: {  	s5 =	ssub.s32 $0x0, s20;
	[sflag:s22] =	ssyncset.done $0x0  }
0xa1: {  	[sflag:s22] =	ssyncadd.s32 s5;
	_ =	sdelay $0x1  }
0xa2: {  	s23 =	simm.s32 $0x1B8B  }
0xa3: {  	_ =	swait.ge [sflag:s23], $0x1  }
0xa4: {  	[sflag:s23] =	ssyncset.done $0x0  }
0xa5: {  	s25 =	simm.s32 $0x1B8E;
	s24 =	sld [smem:$0x3FFE];
	[sflag:s23] =	ssyncadd.s32 $0xFFFFFFFF  }
0xa6: {  	s26 =	simm.s32 $execute0_lowered;
	[smem:$0x3FD2] =	sst s25  }
0xa7: {  	s6 =	sshll.u32 s26, $0x1;
	_ =	strace $0x80000049;
	[dreg:$0x1] =	wrdreg $0xFFFFFFFF  }
0xa8: {  	s28 =	simm.s32 $_size_execute0_lowered;
	s4 =	sadd.s32 s4, s6;
	[dreg:$0x0] =	wrdreg $0x0  }
0xa9: {  	s6 =	sshll.u32 s28, $0x1;
	[dreg:$0x2] =	wrdreg s4  }
0xaa: {  	[dreg:$0x3] =	wrdreg s6  }
0xab: {  	[dreg:$0x4] =	wrdreg $0xC0  }
0xac: {  	_ =	task [dreg:s8], $0x5FFFF  }
0xad: {  	[dreg:$0x1] =	wrdreg $0xFFFFFFFF  }
0xae: {  	[dreg:$0x0] =	wrdreg $0x60  }
0xaf: {  	[dreg:$0x2] =	wrdreg s24  }
0xb0: {  	[dreg:$0x3] =	wrdreg s2  }
0xb1: {  	[dreg:$0x4] =	wrdreg s18  }
0xb2: {  	[dreg:$0x5] =	wrdreg $0x9  }
0xb3: {  	_ =	task.clear_ibuf [dreg:s8], $0x6FFFF;
	_ =	strace $0x90000049  }
0xb4: {  	s29 =	simm.s32 $0x9;
	_ =	strace $0x8000004B  }
0xb5: {  	_ =	swait.ge [sflag:s29], $0x1  }
0xb6: {  	[sflag:s29] =	ssyncadd.s32 $0xFFFFFFFF  }
0xb7: {  	_ =	strace $0x9000004B  }
0xb8: {  	_ =	sfence  }
0xb9: {  	s30 =	sld [smem:$0x0];
	_ =	sdelay $0x2  }
0xba: {  	s31 =	sshll.u32 s1, $0xD;
	s1 =	sshrl.u32 s1, $0x2  }
0xbb: {  	s3 =	sand.u32 $0x4000, s31;
	s1 =	sadd.s32 s1, s30  }
0xbc: {  	s0 =	sor.u32 s3, s0;
	s1 =	sshll.u32 s1, $0x11  }
0xbd: {  	s0 =	sor.u32 s1, s0  }
0xbe: {  	s0 =	sadd.s32 $0x8F2B, s0  }
0xbf: {  	[sflag:s0] =	ssyncadd.remote.s32 $0x1  }
0xc0: {  	_ =	sfence.sel $0xFFFF  }
0xc1: {  	[dreg:$0x0] =	wrdreg $0xFFFFFFFF;
	(pc) =	sbr.abs _section_cstart, $3  }
0xc2: {  	[dreg:$0x1] =	wrdreg $0xFFFFFFFF  }
0xc3: {  	_ =	task.clear_ibuf [dreg:s8], $0x2FFFF;
	_ =	strace $0x9FFFFFFF  }
0xc4: {  	(tm) =	ssettm $0x7FFFFFFF  }
0xc5: {  	_ =	shalt  }
tec
execute0_lowered:
.L_overlay_start_1:
0x0: {  	(tag) =	ssettag $0x1  }
0x1: {  	s3 =	rddreg [dreg:$0x0]  }
0x2: {  	s1 =	rddreg [dreg:$0x1]  }
0x3: {  	s5 =	rddreg [dreg:$0x2]  }
0x4: {  	s0 =	rddreg [dreg:$0x3]  }
0x5: {  	s2 =	simm.s32 $0x0;
	s4 =	srdreg.scid;
	s11 =	simm.s32 $0x8080  }
0x6: {  	s12 =	simm.s32 $0x0;
	[smem:$0x7FF] =	sst s2;
	s6 =	sand.u32 $0x1, s4  }
0x7: {  	s4 =	sadd.s32 $0x800, s3;
	s3 =	stileid.u32;
	_ =	strace $0x8000004A  }
0x8: {  	s7 =	ssub.s32 $0x2, s6;
	s29 =	sshll.u32 s3, $0xD;
	s9 =	sshll.u32 s6, $0xC  }
0x9: {  	s30 =	sshll.u32 s3, $0x16;
	s10 =	sshll.u32 s6, $0x15;
	s8 =	sshrl.u32 s7, $0x1  }
0xa: {  	s31 =	sor.u32 s10, s30;
	s7 =	ssub.s32 s7, s8;
	s8 =	sor.u32 s9, s29  }
0xb: {  	s10 =	simm.s32 $0x1;
	s9 =	simm.s32 $0x80;
	s5 =	sadd.s32 s5, s8  }
0xc: {  	s6 =	smax.u32 s7, $0x1;
	s7 =	sor.u32 $0xF000, s31;
	s8 =	simm.s32 $0x2  }
.LBB2_1:
0xd: {  	[tilespmem:s2], [sflag:$0x2] =	stream.linear.gather [hbm4b:s1+s2], $0x80, $0x38;
	[tilespmem:$0x10080] =	vst v63  }
0xe: {  	_ =	swait.ge [sflag:s8], $0x80  }
0xf: {  	[sflag:s8] =	ssyncset.done $0x0  }
0x10: {  	[sflag:s8] =	ssyncadd.s32 $0xFFFFFF80  }
0x11: {  	v0 =	vld [tilespmem:$0x30]  }
0x12: {  	v1 =	vld [tilespmem:$0x0]  }
0x13: {  	v3 =	vld [tilespmem:$0x20];
	_ =	sdelay $0x1  }
0x14: {  	s14 =	sadd.s32 $0xFFFF2000, s7  }
0x15: {  	s15 =	sadd.s32 $0xFFFF1000, s7;
	s13 =	simm.s32 $0x0;
	v4 =	vadd.s32 s14, v0  }
0x16: {  	v2 =	vld [tilespmem:$0x10];
	v5 =	vadd.s32 s15, v1;
	[tilespmem:s13+$0xF0] =	vst v4  }
0x17: {  	v4 =	vadd.s32 s15, v3;
	[tilespmem:s13+$0x80] =	vst v5  }
0x18: {  	v5 =	vadd.s32 s14, v3;
	[tilespmem:s13+$0xA0] =	vst v4  }
0x19: {  	v4 =	vadd.s32 s14, v1;
	[tilespmem:s13+$0xE0] =	vst v5  }
0x1a: {  	v5 =	vadd.s32 s15, v0;
	[tilespmem:s13+$0xC0] =	vst v4  }
0x1b: {  	v4 =	vadd.s32 s15, v2;
	[tilespmem:s13+$0xB0] =	vst v5  }
0x1c: {  	s19 =	sadd.s32 $0xFFFF3000, s7;
	v5 =	vadd.s32 s14, v2;
	[tilespmem:s13+$0x90] =	vst v4  }
0x1d: {  	s20 =	simm.s32 $0x80;
	s16 =	simm.s32 $0x8080;
	s17 =	sadd.s32 $0xFFFF4000, s7;
	[tilespmem:s13+$0xD0] =	vst v5  }
0x1e: {  	v4 =	vadd.s32 s17, v0;
	[tilespmem:s16], [sflag:$0x1] =	stream.indirect.gather [hbm4b:s4+s9], $0x1, s20, s9, $0xb8;
	[tilespmem:$0x10080] =	vst v63  }
0x1f: {  	v5 =	vadd.s32 s19, v3;
	[tilespmem:s13+$0x170] =	vst v4  }
0x20: {  	[tilespmem:s13+$0x120] =	vst v5;
	v4 =	vadd.s32 s17, v3  }
0x21: {  	v5 =	vadd.s32 s17, v2;
	[tilespmem:s13+$0x160] =	vst v4  }
0x22: {  	v4 =	vadd.s32 s19, v2;
	[tilespmem:s13+$0x150] =	vst v5  }
0x23: {  	v5 =	vadd.s32 s19, v1;
	[tilespmem:s13+$0x110] =	vst v4  }
0x24: {  	v4 =	vadd.s32 s19, v0;
	[tilespmem:s13+$0x100] =	vst v5  }
0x25: {  	s21 =	sadd.s32 $0xFFFF5000, s7;
	[tilespmem:s13+$0x130] =	vst v4;
	v4 =	vadd.s32 s17, v1  }
0x26: {  	s22 =	simm.s32 $0x100;
	s23 =	simm.s32 $0x8100;
	s24 =	sadd.s32 $0xFFFF6000, s7;
	[tilespmem:s13+$0x140] =	vst v4  }
0x27: {  	v4 =	vadd.s32 s24, v0;
	[tilespmem:s23], [sflag:$0x1] =	stream.indirect.gather [hbm4b:s4+s9], $0x1, s22, s9, $0xb8;
	[tilespmem:$0x10080] =	vst v63  }
0x28: {  	v5 =	vadd.s32 s21, v3;
	[tilespmem:s13+$0x1F0] =	vst v4  }
0x29: {  	v4 =	vadd.s32 s21, v2;
	[tilespmem:s13+$0x1A0] =	vst v5  }
0x2a: {  	v5 =	vadd.s32 s24, v2;
	[tilespmem:s13+$0x190] =	vst v4  }
0x2b: {  	v4 =	vadd.s32 s24, v3;
	[tilespmem:s13+$0x1D0] =	vst v5  }
0x2c: {  	v5 =	vadd.s32 s21, v1;
	[tilespmem:s13+$0x1E0] =	vst v4  }
0x2d: {  	v4 =	vadd.s32 s24, v1;
	[tilespmem:s13+$0x180] =	vst v5  }
0x2e: {  	[tilespmem:s13+$0x1C0] =	vst v4;
	v4 =	vadd.s32 s21, v0  }
0x2f: {  	s25 =	simm.s32 $0x180;
	s26 =	simm.s32 $0x8180;
	s28 =	sadd.s32 $0xFFFF8000, s7;
	[tilespmem:s13+$0x1B0] =	vst v4  }
0x30: {  	v4 =	vadd.s32 s28, v0;
	[tilespmem:s26], [sflag:$0x1] =	stream.indirect.gather [hbm4b:s4+s9], $0x1, s25, s9, $0xb8;
	[tilespmem:$0x10080] =	vst v63  }
0x31: {  	s29 =	sadd.s32 $0xFFFF7000, s7;
	v5 =	vadd.s32 s28, v3;
	[tilespmem:s13+$0x270] =	vst v4  }
0x32: {  	v4 =	vadd.s32 s29, v2;
	[tilespmem:s13+$0x260] =	vst v5  }
0x33: {  	v5 =	vadd.s32 s28, v1;
	[tilespmem:s13+$0x210] =	vst v4  }
0x34: {  	v4 =	vadd.s32 s28, v2;
	[tilespmem:s13+$0x240] =	vst v5  }
0x35: {  	v5 =	vadd.s32 s29, v1;
	[tilespmem:s13+$0x250] =	vst v4  }
0x36: {  	v4 =	vadd.s32 s29, v3;
	[tilespmem:s13+$0x200] =	vst v5  }
0x37: {  	[tilespmem:s13+$0x220] =	vst v4;
	v4 =	vadd.s32 s29, v0  }
0x38: {  	s30 =	simm.s32 $0x200;
	s31 =	simm.s32 $0x8200;
	s21 =	sadd.s32 $0xFFFFA000, s7;
	[tilespmem:s13+$0x230] =	vst v4  }
0x39: {  	v4 =	vadd.s32 s21, v0;
	[tilespmem:s31], [sflag:$0x1] =	stream.indirect.gather [hbm4b:s4+s9], $0x1, s30, s9, $0xb8;
	[tilespmem:$0x10080] =	vst v63  }
0x3a: {  	s18 =	sadd.s32 $0xFFFFB000, s7;
	s14 =	sadd.s32 $0xFFFFF000, s7;
	s15 =	smov.u32 s7;
	v5 =	vadd.s32 s21, v3;
	[tilespmem:s13+$0x2F0] =	vst v4  }
0x3b: {  	s20 =	simm.s32 $0x1000;
	s16 =	sadd.s32 $0xFFFFD000, s7;
	s19 =	sadd.s32 $0xFFFFC000, s7;
	v6 =	vadd.s32 s21, v2;
	[tilespmem:s13+$0x2E0] =	vst v5  }
0x3c: {  	s17 =	sadd.s32 $0xFFFFE000, s7;
	s25 =	sadd.s32 $0xFFFF9000, s7;
	v4 =	vadd.s32 s21, v1;
	[tilespmem:s13+$0x2D0] =	vst v6;
	s21 =	smov.u32 s7  }
.LBB2_2:
0x3d: {  	p0 =	sne.s32 s20, $0x1F000  }
0x3e: {  	v5 =	vadd.s32 s25, v2;
	[tilespmem:s13+$0x2C0] =	vst v4;
	s21 =	sadd.s32 $0x10000, s21;
	s22 =	smov.u32 s20;
	s20 =	sadd.s32 $0x1000, s20  }
0x3f: {  	v4 =	vadd.s32 s25, v1;
	s26 =	sadd.s32 $0xFFFFB000, s21;
	s28 =	sadd.s32 $0xFFFFC000, s21;
	s24 =	sadd.s32 $0xFFFFD000, s21;
	[tilespmem:s13+$0x290] =	vst v5  }
0x40: {  	s29 =	sadd.s32 $0xFFFFE000, s21;
	s23 =	sadd.s32 $0xFFFFF000, s21;
	[tilespmem:s13+$0x280] =	vst v4;
	v4 =	vadd.s32 s25, v0  }
0x41: {  	v5 =	vadd.s32 s25, v3;
	[tilespmem:s13+$0x2B0] =	vst v4  }
0x42: {  	s30 =	sadd.s32 $0x8280, s13;
	s25 =	sadd.s32 $0x280, s13;
	[tilespmem:s13+$0x2A0] =	vst v5  }
0x43: {  	v4 =	vadd.s32 s18, v1;
	[tilespmem:s30], [sflag:$0x1] =	stream.indirect.gather [hbm4b:s4+s9], $0x1, s25, s9, $0xb8;
	[tilespmem:$0x10080] =	vst v63  }
0x44: {  	[tilespmem:s13+$0x300] =	vst v4;
	v4 =	vadd.s32 s19, v0  }
0x45: {  	v5 =	vadd.s32 s19, v3;
	[tilespmem:s13+$0x370] =	vst v4  }
0x46: {  	v4 =	vadd.s32 s19, v1;
	[tilespmem:s13+$0x360] =	vst v5  }
0x47: {  	[tilespmem:s13+$0x340] =	vst v4;
	v4 =	vadd.s32 s19, v2;
	s19 =	smov.u32 s28  }
0x48: {  	v5 =	vadd.s32 s18, v3;
	[tilespmem:s13+$0x350] =	vst v4  }
0x49: {  	v4 =	vadd.s32 s18, v0;
	[tilespmem:s13+$0x320] =	vst v5  }
0x4a: {  	v5 =	vadd.s32 s18, v2;
	s18 =	smov.u32 s26;
	[tilespmem:s13+$0x330] =	vst v4  }
0x4b: {  	s25 =	sadd.s32 $0x300, s13;
	s26 =	sadd.s32 $0x8300, s13;
	[tilespmem:s13+$0x310] =	vst v5  }
0x4c: {  	v4 =	vadd.s32 s16, v1;
	[tilespmem:s26], [sflag:$0x1] =	stream.indirect.gather [hbm4b:s4+s9], $0x1, s25, s9, $0xb8;
	[tilespmem:$0x10080] =	vst v63  }
0x4d: {  	[tilespmem:s13+$0x380] =	vst v4;
	v4 =	vadd.s32 s16, v2  }
0x4e: {  	[tilespmem:s13+$0x390] =	vst v4;
	v4 =	vadd.s32 s16, v0  }
0x4f: {  	[tilespmem:s13+$0x3B0] =	vst v4;
	v4 =	vadd.s32 s17, v1  }
0x50: {  	[tilespmem:s13+$0x3C0] =	vst v4;
	v4 =	vadd.s32 s17, v2  }
0x51: {  	[tilespmem:s13+$0x3D0] =	vst v4;
	v4 =	vadd.s32 s17, v3  }
0x52: {  	[tilespmem:s13+$0x3E0] =	vst v4;
	v4 =	vadd.s32 s17, v0;
	s17 =	smov.u32 s29  }
0x53: {  	[tilespmem:s13+$0x3F0] =	vst v4;
	_ =	sdelay $0x1  }
0x54: {  	v4 =	vadd.s32 s16, v3;
	s16 =	smov.u32 s24  }
0x55: {  	s25 =	sadd.s32 $0x8380, s13;
	s24 =	sadd.s32 $0x380, s13;
	[tilespmem:s13+$0x3A0] =	vst v4  }
0x56: {  	v4 =	vadd.s32 s14, v1;
	[tilespmem:s25], [sflag:$0x1] =	stream.indirect.gather [hbm4b:s4+s9], $0x1, s24, s9, $0xb8;
	[tilespmem:$0x10080] =	vst v63  }
0x57: {  	[tilespmem:s13+$0x400] =	vst v4;
	v4 =	vadd.s32 s14, v2  }
0x58: {  	[tilespmem:s13+$0x410] =	vst v4;
	v4 =	vadd.s32 s15, v0  }
0x59: {  	v5 =	vadd.s32 s15, v3;
	[tilespmem:s13+$0x470] =	vst v4  }
0x5a: {  	v4 =	vadd.s32 s14, v3;
	[tilespmem:s13+$0x460] =	vst v5  }
0x5b: {  	[tilespmem:s13+$0x420] =	vst v4;
	v4 =	vadd.s32 s15, v1  }
0x5c: {  	v5 =	vadd.s32 s14, v0;
	s14 =	smov.u32 s23;
	[tilespmem:s13+$0x440] =	vst v4;
	v4 =	vadd.s32 s15, v2;
	s15 =	smov.u32 s21  }
0x5d: {  	s24 =	sadd.s32 $0x8400, s13;
	s23 =	sadd.s32 $0x400, s13;
	[tilespmem:s13+$0x430] =	vst v5  }
0x5e: {  	[tilespmem:s13+$0x450] =	vst v4  }
0x5f: {  	[tilespmem:s24], [sflag:$0x1] =	stream.indirect.gather [hbm4b:s4+s9], $0x1, s23, s9, $0xb8;
	[tilespmem:$0x10080] =	vst v63  }
0x60: {  	_ =	swait.ge [sflag:s10], $0x80  }
0x61: {  	[sflag:s10] =	ssyncset.done $0x0  }
0x62: {  	[sflag:s10] =	ssyncadd.s32 $0xFFFFFF80  }
0x63: {  	_ =	swait.ge [sflag:s10], $0x80  }
0x64: {  	[sflag:s10] =	ssyncset.done $0x0  }
0x65: {  	[sflag:s10] =	ssyncadd.s32 $0xFFFFFF80  }
0x66: {  	_ =	swait.ge [sflag:s10], $0x80  }
0x67: {  	[sflag:s10] =	ssyncset.done $0x0  }
0x68: {  	[sflag:s10] =	ssyncadd.s32 $0xFFFFFF80  }
0x69: {  	_ =	swait.ge [sflag:s10], $0x80  }
0x6a: {  	[sflag:s10] =	ssyncset.done $0x0  }
0x6b: {  	[sflag:s10] =	ssyncadd.s32 $0xFFFFFF80  }
0x6c: {  	_ =	swait.ge [sflag:s10], $0x80  }
0x6d: {  	[sflag:s10] =	ssyncset.done $0x0  }
0x6e: {  	[sflag:s10] =	ssyncadd.s32 $0xFFFFFF80  }
0x6f: {  	_ =	swait.ge [sflag:s10], $0x80  }
0x70: {  	[sflag:s10] =	ssyncset.done $0x0  }
0x71: {  	[sflag:s10] =	ssyncadd.s32 $0xFFFFFF80  }
0x72: {  	_ =	swait.ge [sflag:s10], $0x80  }
0x73: {  	[sflag:s10] =	ssyncset.done $0x0  }
0x74: {  	[sflag:s10] =	ssyncadd.s32 $0xFFFFFF80  }
0x75: {  	_ =	swait.ge [sflag:s10], $0x80  }
0x76: {  	s23 =	sadd.s32 $0xFFFF1000, s21;
	s24 =	sadd.s32 $0xFFFF2000, s21;
	[sflag:s10] =	ssyncset.done $0x0  }
0x77: {  	s13 =	sshra.s32 s22, $0x2;
	v4 =	vadd.s32 s23, v1;
	v5 =	vadd.s32 s23, v3;
	v6 =	vadd.s32 s24, v0;
	[sflag:s10] =	ssyncadd.s32 $0xFFFFFF80  }
0x78: {  	v7 =	vadd.s32 s23, v2;
	v8 =	vadd.s32 s24, v2;
	v9 =	vadd.s32 s24, v3;
	[tilespmem:s13+$0xF0] =	vst v6  }
0x79: {  	v6 =	vadd.s32 s24, v1;
	[tilespmem:s13+$0x80] =	vst v4;
	v4 =	vadd.s32 s23, v0  }
0x7a: {  	[tilespmem:s13+$0xA0] =	vst v5  }
0x7b: {  	[tilespmem:s13+$0xE0] =	vst v9  }
0x7c: {  	[tilespmem:s13+$0xC0] =	vst v6  }
0x7d: {  	[tilespmem:s13+$0xB0] =	vst v4  }
0x7e: {  	s22 =	sadd.s32 $0xFFFF3000, s21;
	[tilespmem:s13+$0x90] =	vst v7  }
0x7f: {  	s25 =	sadd.s32 $0xFFFF4000, s21;
	s24 =	sadd.s32 $0x8080, s13;
	s23 =	sadd.s32 $0x80, s13;
	[tilespmem:s13+$0xD0] =	vst v8  }
0x80: {  	v4 =	vadd.s32 s25, v0;
	[tilespmem:s24], [sflag:$0x1] =	stream.indirect.gather [hbm4b:s4+s9], $0x1, s23, s9, $0xb8;
	[tilespmem:$0x10080] =	vst v63  }
0x81: {  	v5 =	vadd.s32 s22, v3;
	[tilespmem:s13+$0x170] =	vst v4  }
0x82: {  	v4 =	vadd.s32 s25, v3;
	[tilespmem:s13+$0x120] =	vst v5  }
0x83: {  	v5 =	vadd.s32 s25, v2;
	[tilespmem:s13+$0x160] =	vst v4  }
0x84: {  	v4 =	vadd.s32 s22, v2;
	[tilespmem:s13+$0x150] =	vst v5  }
0x85: {  	[tilespmem:s13+$0x110] =	vst v4;
	v4 =	vadd.s32 s22, v0  }
0x86: {  	v5 =	vadd.s32 s22, v1;
	[tilespmem:s13+$0x130] =	vst v4  }
0x87: {  	s22 =	sadd.s32 $0xFFFF5000, s21;
	v4 =	vadd.s32 s25, v1;
	[tilespmem:s13+$0x100] =	vst v5  }
0x88: {  	s23 =	sadd.s32 $0x100, s13;
	s24 =	sadd.s32 $0x8100, s13;
	s25 =	sadd.s32 $0xFFFF6000, s21;
	[tilespmem:s13+$0x140] =	vst v4  }
0x89: {  	v4 =	vadd.s32 s25, v0;
	[tilespmem:s24], [sflag:$0x1] =	stream.indirect.gather [hbm4b:s4+s9], $0x1, s23, s9, $0xb8;
	[tilespmem:$0x10080] =	vst v63  }
0x8a: {  	v5 =	vadd.s32 s22, v3;
	[tilespmem:s13+$0x1F0] =	vst v4  }
0x8b: {  	v4 =	vadd.s32 s22, v2;
	[tilespmem:s13+$0x1A0] =	vst v5  }
0x8c: {  	[tilespmem:s13+$0x190] =	vst v4;
	v4 =	vadd.s32 s25, v3  }
0x8d: {  	v5 =	vadd.s32 s25, v2;
	[tilespmem:s13+$0x1E0] =	vst v4  }
0x8e: {  	v4 =	vadd.s32 s25, v1;
	[tilespmem:s13+$0x1D0] =	vst v5  }
0x8f: {  	v5 =	vadd.s32 s22, v1;
	[tilespmem:s13+$0x1C0] =	vst v4  }
0x90: {  	v4 =	vadd.s32 s22, v0;
	[tilespmem:s13+$0x180] =	vst v5  }
0x91: {  	s23 =	sadd.s32 $0x8180, s13;
	s24 =	sadd.s32 $0xFFFF8000, s21;
	s22 =	sadd.s32 $0x180, s13;
	[tilespmem:s13+$0x1B0] =	vst v4  }
0x92: {  	v4 =	vadd.s32 s24, v0;
	[tilespmem:s23], [sflag:$0x1] =	stream.indirect.gather [hbm4b:s4+s9], $0x1, s22, s9, $0xb8;
	[tilespmem:$0x10080] =	vst v63  }
0x93: {  	v5 =	vadd.s32 s24, v3;
	s22 =	sadd.s32 $0xFFFF7000, s21;
	[tilespmem:s13+$0x270] =	vst v4  }
0x94: {  	v4 =	vadd.s32 s22, v2;
	[tilespmem:s13+$0x260] =	vst v5  }
0x95: {  	[tilespmem:s13+$0x210] =	vst v4;
	v4 =	vadd.s32 s24, v2  }
0x96: {  	v5 =	vadd.s32 s24, v1;
	[tilespmem:s13+$0x250] =	vst v4  }
0x97: {  	v4 =	vadd.s32 s22, v3;
	[tilespmem:s13+$0x240] =	vst v5  }
0x98: {  	[tilespmem:s13+$0x220] =	vst v4;
	v4 =	vadd.s32 s22, v0  }
0x99: {  	s23 =	sadd.s32 $0x8200, s13;
	v5 =	vadd.s32 s22, v1;
	[tilespmem:s13+$0x230] =	vst v4  }
.Ltmp0:
0x9a: {  	s24 =	sadd.s32 $0xFFFFA000, s21;
	s22 =	sadd.s32 $0x200, s13;
	[tilespmem:s13+$0x200] =	vst v5;
	(pc) =	sbr.rel @p0 .LBB2_2-.Ltmp0, $4  }
0x9b: {  	v4 =	vadd.s32 s24, v0;
	[tilespmem:s23], [sflag:$0x1] =	stream.indirect.gather [hbm4b:s4+s9], $0x1, s22, s9, $0xb8;
	[tilespmem:$0x10080] =	vst v63  }
0x9c: {  	v5 =	vadd.s32 s24, v3;
	[tilespmem:s13+$0x2F0] =	vst v4  }
0x9d: {  	v6 =	vadd.s32 s24, v2;
	[tilespmem:s13+$0x2E0] =	vst v5  }
0x9e: {  	s25 =	sadd.s32 $0xFFFF9000, s21;
	v4 =	vadd.s32 s24, v1;
	[tilespmem:s13+$0x2D0] =	vst v6  }
0x9f: {  	v5 =	vadd.s32 s25, v2;
	[tilespmem:s13+$0x2C0] =	vst v4  }
0xa0: {  	v37 =	vadd.s32 s25, v1;
	[tilespmem:s13+$0x290] =	vst v5  }
0xa1: {  	v38 =	vadd.s32 s25, v0;
	[tilespmem:s13+$0x280] =	vst v37  }
0xa2: {  	v39 =	vadd.s32 s25, v3;
	[tilespmem:s13+$0x2B0] =	vst v38  }
0xa3: {  	s20 =	sadd.s32 $0x280, s13;
	s21 =	sadd.s32 $0x8280, s13;
	[tilespmem:s13+$0x2A0] =	vst v39  }
0xa4: {  	v40 =	vadd.s32 s18, v1;
	[tilespmem:s21], [sflag:$0x1] =	stream.indirect.gather [hbm4b:s4+s9], $0x1, s20, s9, $0xb8;
	[tilespmem:$0x10080] =	vst v63  }
0xa5: {  	v41 =	vadd.s32 s19, v0;
	[tilespmem:s13+$0x300] =	vst v40  }
0xa6: {  	v42 =	vadd.s32 s19, v3;
	[tilespmem:s13+$0x370] =	vst v41  }
0xa7: {  	v43 =	vadd.s32 s19, v1;
	[tilespmem:s13+$0x360] =	vst v42  }
0xa8: {  	v44 =	vadd.s32 s19, v2;
	[tilespmem:s13+$0x340] =	vst v43  }
0xa9: {  	v45 =	vadd.s32 s18, v3;
	[tilespmem:s13+$0x350] =	vst v44  }
0xaa: {  	v46 =	vadd.s32 s18, v0;
	[tilespmem:s13+$0x320] =	vst v45  }
0xab: {  	v47 =	vadd.s32 s18, v2;
	[tilespmem:s13+$0x330] =	vst v46  }
0xac: {  	s25 =	sadd.s32 $0x300, s13;
	s26 =	sadd.s32 $0x8300, s13;
	[tilespmem:s13+$0x310] =	vst v47  }
0xad: {  	v48 =	vadd.s32 s16, v1;
	[tilespmem:s26], [sflag:$0x1] =	stream.indirect.gather [hbm4b:s4+s9], $0x1, s25, s9, $0xb8;
	[tilespmem:$0x10080] =	vst v63  }
0xae: {  	v49 =	vadd.s32 s16, v2;
	[tilespmem:s13+$0x380] =	vst v48  }
0xaf: {  	v50 =	vadd.s32 s16, v0;
	[tilespmem:s13+$0x390] =	vst v49  }
0xb0: {  	v51 =	vadd.s32 s17, v1;
	[tilespmem:s13+$0x3B0] =	vst v50  }
0xb1: {  	v52 =	vadd.s32 s17, v2;
	[tilespmem:s13+$0x3C0] =	vst v51  }
0xb2: {  	v53 =	vadd.s32 s17, v3;
	[tilespmem:s13+$0x3D0] =	vst v52  }
0xb3: {  	v54 =	vadd.s32 s17, v0;
	[tilespmem:s13+$0x3E0] =	vst v53  }
0xb4: {  	v55 =	vadd.s32 s16, v3;
	[tilespmem:s13+$0x3F0] =	vst v54  }
0xb5: {  	s28 =	sadd.s32 $0x380, s13;
	s29 =	sadd.s32 $0x8380, s13;
	[tilespmem:s13+$0x3A0] =	vst v55  }
0xb6: {  	v56 =	vadd.s32 s14, v1;
	[tilespmem:s29], [sflag:$0x1] =	stream.indirect.gather [hbm4b:s4+s9], $0x1, s28, s9, $0xb8;
	[tilespmem:$0x10080] =	vst v63  }
0xb7: {  	v57 =	vadd.s32 s14, v2;
	[tilespmem:s13+$0x400] =	vst v56  }
0xb8: {  	v58 =	vadd.s32 s15, v0;
	[tilespmem:s13+$0x410] =	vst v57  }
0xb9: {  	v59 =	vadd.s32 s15, v3;
	[tilespmem:s13+$0x470] =	vst v58  }
0xba: {  	v60 =	vadd.s32 s14, v3;
	[tilespmem:s13+$0x460] =	vst v59  }
0xbb: {  	v61 =	vadd.s32 s15, v1;
	[tilespmem:s13+$0x420] =	vst v60  }
0xbc: {  	v62 =	vadd.s32 s14, v0;
	[tilespmem:s13+$0x440] =	vst v61  }
0xbd: {  	v63 =	vadd.s32 s15, v2;
	[tilespmem:s13+$0x430] =	vst v62  }
0xbe: {  	s30 =	sadd.s32 $0x400, s13;
	s31 =	sadd.s32 $0x8400, s13;
	[tilespmem:s13+$0x450] =	vst v63  }
0xbf: {  	[tilespmem:s31], [sflag:$0x1] =	stream.indirect.gather [hbm4b:s4+s9], $0x1, s30, s9, $0xb8;
	[tilespmem:$0x10080] =	vst v63  }
0xc0: {  	_ =	swait.ge [sflag:s10], $0x80  }
0xc1: {  	[sflag:s10] =	ssyncset.done $0x0  }
0xc2: {  	[sflag:s10] =	ssyncadd.s32 $0xFFFFFF80  }
0xc3: {  	_ =	swait.ge [sflag:s10], $0x80  }
0xc4: {  	[sflag:s10] =	ssyncset.done $0x0  }
0xc5: {  	[sflag:s10] =	ssyncadd.s32 $0xFFFFFF80  }
0xc6: {  	_ =	swait.ge [sflag:s10], $0x80  }
0xc7: {  	[sflag:s10] =	ssyncset.done $0x0  }
0xc8: {  	[sflag:s10] =	ssyncadd.s32 $0xFFFFFF80  }
0xc9: {  	_ =	swait.ge [sflag:s10], $0x80  }
0xca: {  	[sflag:s10] =	ssyncset.done $0x0  }
0xcb: {  	[sflag:s10] =	ssyncadd.s32 $0xFFFFFF80  }
0xcc: {  	_ =	swait.ge [sflag:s10], $0x80  }
0xcd: {  	[sflag:s10] =	ssyncset.done $0x0  }
0xce: {  	[sflag:s10] =	ssyncadd.s32 $0xFFFFFF80  }
0xcf: {  	_ =	swait.ge [sflag:s10], $0x80  }
0xd0: {  	[sflag:s10] =	ssyncset.done $0x0  }
0xd1: {  	[sflag:s10] =	ssyncadd.s32 $0xFFFFFF80  }
0xd2: {  	_ =	swait.ge [sflag:s10], $0x80  }
0xd3: {  	[sflag:s10] =	ssyncset.done $0x0  }
0xd4: {  	[sflag:s10] =	ssyncadd.s32 $0xFFFFFF80  }
0xd5: {  	s12 =	sadd.s32 $0x1, s12;
	_ =	swait.ge [sflag:s10], $0x80  }
0xd6: {  	p0 =	sne.s32 s12, s6;
	[sflag:s10] =	ssyncset.done $0x0  }
.Ltmp1:
0xd7: {  	[sflag:s10] =	ssyncadd.s32 $0xFFFFFF80;
	(pc) =	sbr.rel @p0 .LBB2_1-.Ltmp1, $4  }
0xd8: {  	[hbm4b:s5+s2] =	stream.linear.scatter [tilespmem:s11], [sflag:$0x2], $0x8000, $0x38;
	[tilespmem:$0x10080] =	vst v63  }
0xd9: {  	_ =	swait.ge [sflag:s8], $0x8000  }
0xda: {  	[sflag:s8] =	ssyncset.done $0x0  }
0xdb: {  	[sflag:s8] =	ssyncadd.s32 $0xFFFF8000  }
0xdc: {  	_ =	sfence.sel $0x180000  }
0xdd: {  	[bflag:$0x0] =	sbarrier.arrive $0xFFFF  }
0xde: {  	p0 =	sne.s32 s3, $0x0;
	_ =	strace $0x9000004A  }
0xdf: {  	s0 =	sadd.s32 @!p0 $0x100000, s0;
	[bflag:$0x2] =	sbarrier.arrive $0xFFFF  }
0xe0: {  	[sflag:s0] =	ssyncadd.tile.s32 @!p0 $0x1;
	_ =	shalt  }
.Lfunc_end2:
_tile_overlayer_lowered:
.L_overlay_start_2:
0xe1: {  	(tag) =	ssettag $0x2  }
0xe2: {  	s0 =	rddreg [dreg:$0x0];
	s2 =	stileid.u32  }
0xe3: {  	s1 =	rddreg [dreg:$0x1];
	p0 =	sne.s32 s2, $0x0  }
0xe4: {  	s3 =	rddreg [dreg:$0x2];
	[bflag:$0x3] =	sbarrier.arrive $0xFFFF;
	s2 =	simm.s32 @!p0 $0x1C02  }
0xe5: {  	[timem:s3], [sflag:s2] =	dma.local @!p0 [hbm:s0], s1  }
0xe6: {  	s0 =	simm.s32 @!p0 $0x2  }
0xe7: {  	_ =	swait.ge @!p0 [sflag:s0], s1  }
0xe8: {  	s1 =	ssub.s32 @!p0 $0x0, s1;
	[sflag:s0] =	ssyncset.done @!p0 $0x0  }
0xe9: {  	[sflag:s0] =	ssyncadd.s32 @!p0 s1  }
0xea: {  	[bflag:$0x3] =	sbarrier.arrive $0xFFFF  }
0xeb: {  	_ =	shalt  }

// kernel: sparse-core-data-format-call.cloned.1.call-start
scs
called_computation_lowered:
.L_overlay_start_0:
0x0: {  	s2 =	sld [smem:$0x3FD9]  }
0x1: {  	s3 =	sld [smem:$0x3FFE];
	_ =	sdelay $0x1  }
0x2: {  	s1 =	srdreg.scid  }
0x3: {  	s0 =	sand.u32 $0x1, s1  }
0x4: {  	s18 =	sshll.u32 s0, $0xA;
	s2 =	sadd.s32 s3, s2  }
0x5: {  	s2 =	sadd.s32 s2, s18  }
0x6: {  	[smem:$0x3FC6] =	sst s2  }
0x7: {  	_ = 	snop  }
0x8: {  	s2 =	sld [smem:$0x3FC9];
	(tm) =	ssettm $0x1  }
0x9: {  	s19 =	sld [smem:$0x3FFB];
	_ =	sdelay $0x3  }
0xa: {  	_ =	strace s19  }
0xb: {  	s3 =	sld [smem:$0x3FFC];
	_ =	sdelay $0x3  }
0xc: {  	_ =	strace s3  }
0xd: {  	s3 =	sld [smem:$0x3FFD];
	_ =	sdelay $0x3  }
0xe: {  	_ =	strace s3  }
0xf: {  	_ =	strace $0x8FFFFFFF  }
0x10: {  	s20 =	sld [smem:$0x3FDB];
	_ =	sdelay $0x1  }
0x11: {  	s4 =	simm.s32 $_scs_section_size  }
0x12: {  	s5 =	simm.s32 $_size__tile_overlayer_lowered;
	s6 =	simm.s32 $_tile_overlayer_lowered  }
0x13: {  	s23 =	simm.s32 $0x1BFF;
	s22 =	sshll.u32 s6, $0x1;
	s3 =	sadd.s32 s4, s20  }
0x14: {  	s7 =	simm.s32 $0x0;
	s21 =	sshll.u32 s5, $0x1;
	s5 =	sadd.s32 s22, s3  }
0x15: {  	[timem:s7], [sflag:s23] =	dma.local [hbm:s5], s21  }
0x16: {  	_ =	swait.ge [sflag:s23], s21  }
0x17: {  	s4 =	ssub.s32 $0x0, s21;
	[sflag:s23] =	ssyncset.done $0x0  }
0x18: {  	[sflag:s23] =	ssyncadd.s32 s4;
	_ =	sdelay $0x1  }
0x19: {  	s24 =	simm.s32 $0x1B8B  }
0x1a: {  	_ =	swait.ge [sflag:s24], $0x1  }
0x1b: {  	[sflag:s24] =	ssyncset.done $0x0  }
0x1c: {  	s26 =	simm.s32 $0x1B8E;
	s25 =	sld [smem:$0x3FFE];
	[sflag:s24] =	ssyncadd.s32 $0xFFFFFFFF  }
0x1d: {  	s27 =	simm.s32 $execute0_lowered;
	[smem:$0x3FD2] =	sst s26  }
0x1e: {  	s5 =	sshll.u32 s27, $0x1;
	_ =	strace $0x80000046;
	[dreg:$0x1] =	wrdreg $0xFFFFFFFF  }
0x1f: {  	s28 =	simm.s32 $_size_execute0_lowered;
	s3 =	sadd.s32 s3, s5;
	[dreg:$0x0] =	wrdreg $0x0  }
0x20: {  	s5 =	sshll.u32 s28, $0x1;
	[dreg:$0x2] =	wrdreg s3  }
0x21: {  	[dreg:$0x3] =	wrdreg s5  }
0x22: {  	[dreg:$0x4] =	wrdreg $0xC0  }
0x23: {  	_ =	task [dreg:s7], $0x5FFFF  }
0x24: {  	[dreg:$0x1] =	wrdreg $0xFFFFFFFF  }
0x25: {  	[dreg:$0x0] =	wrdreg $0x60  }
0x26: {  	[dreg:$0x2] =	wrdreg s2  }
0x27: {  	[dreg:$0x3] =	wrdreg s25  }
0x28: {  	[dreg:$0x4] =	wrdreg $0x9  }
0x29: {  	_ =	task.clear_ibuf [dreg:s7], $0x5FFFF;
	_ =	strace $0x90000046  }
0x2a: {  	s29 =	simm.s32 $0x9;
	_ =	strace $0x80000048  }
0x2b: {  	_ =	swait.ge [sflag:s29], $0x1  }
0x2c: {  	[sflag:s29] =	ssyncadd.s32 $0xFFFFFFFF  }
0x2d: {  	_ =	strace $0x90000048  }
0x2e: {  	_ =	sfence  }
0x2f: {  	s30 =	sld [smem:$0x0];
	_ =	sdelay $0x2  }
0x30: {  	s31 =	sshll.u32 s1, $0xD;
	s1 =	sshrl.u32 s1, $0x2  }
0x31: {  	s3 =	sand.u32 $0x4000, s31;
	s1 =	sadd.s32 s1, s30  }
0x32: {  	s0 =	sor.u32 s3, s0;
	s1 =	sshll.u32 s1, $0x11  }
0x33: {  	s0 =	sor.u32 s1, s0  }
0x34: {  	s0 =	sadd.s32 $0x8F2B, s0  }
0x35: {  	[sflag:s0] =	ssyncadd.remote.s32 $0x1  }
0x36: {  	_ =	sfence.sel $0xFFFF  }
0x37: {  	[dreg:$0x0] =	wrdreg $0xFFFFFFFF;
	(pc) =	sbr.abs _section_cstart, $3  }
0x38: {  	[dreg:$0x1] =	wrdreg $0xFFFFFFFF  }
0x39: {  	_ =	task.clear_ibuf [dreg:s7], $0x2FFFF;
	_ =	strace $0x9FFFFFFF  }
0x3a: {  	(tm) =	ssettm $0x7FFFFFFF  }
0x3b: {  	_ =	shalt  }
tec
execute0_lowered:
.L_overlay_start_1:
0x0: {  	(tag) =	ssettag $0x1  }
0x1: {  	s2 =	rddreg [dreg:$0x0]  }
0x2: {  	s1 =	rddreg [dreg:$0x1]  }
0x3: {  	s0 =	rddreg [dreg:$0x2];
	_ =	strace $0x80000047;
	s4 =	srdreg.scid  }
0x4: {  	s6 =	simm.s32 $0x2;
	s11 =	simm.s32 $0x0;
	p0 =	por $0x0, $0x0  }
.Ltmp0:
0x5: {  	s7 =	simm.s32 $0x1000;
	s12 =	simm.s32 $0x0;
	(pc) =	sbr.rel .LBB1_1-.Ltmp0, $4  }
0x6: {  	s9 =	simm.s32 $0x0;
	s3 =	sadd.s32 $0x800, s1;
	s5 =	sshll.u32 s4, $0x4  }
0x7: {  	s1 =	stileid.u32;
	s4 =	simm.s32 $0x1;
	s5 =	sand.u32 $0x10, s5  }
0x8: {  	s8 =	simm.s32 $0x0;
	[sflag:s4] =	ssyncpa.u1 $0x0;
	s5 =	sor.u32 s1, s5  }
0x9: {  	[sflag:s6] =	ssyncpa.u1 $0x0;
	s6 =	simm.s32 $0x800;
	s10 =	smov.u32 s5  }
.LBB1_7:
0xa: {  	s13 =	sadd.s32 $0x10, s9  }
0xb: {  	s11 =	sadd.s32 $0x20, s10;
	s15 =	smov.u32 s10;
	p2 =	sgt.s32 s13, $0x1F  }
0xc: {  	p1 =	slt.u32 s8, $0x2;
	s15 =	smov.u32 @p2 s11  }
0xd: {  	s8 =	sadd.s32 $0x1, s8;
	s13 =	simm.s32 @p2 $0x0;
	p2 =	sgt.s32 s15, $0x7FF  }
0xe: {  	s15 =	smov.u32 @p2 s5;
	p2 =	sne.s32 s8, $0x82  }
.Ltmp1:
0xf: {  	_ = 	snop;
	(pc) =	sbr.rel @!p2 .LBB1_8-.Ltmp1, $4  }
0x10: {  	s14 =	simm.s32 @!p1 $0x2  }
0x11: {  	s12 =	smov.u32 s10;
	_ =	swait.ge @!p1 [sflag:s14], $0x4000  }
0x12: {  	p0 =	por !p0, !p0;
	s11 =	smov.u32 s9;
	[sflag:s14] =	ssyncset.done @!p1 $0x0  }
0x13: {  	s9 =	smov.u32 s13;
	[sflag:s14] =	ssyncadd.s32 @!p1 $0xFFFFC000;
	s10 =	smov.u32 s15  }
.LBB1_1:
0x14: {  	p1 =	sgt.u32 s8, $0x7F  }
0x15: {  	s13 =	sxor.u32 @!p1 $0xFFFFFFFF, s8;
	s14 =	sshll.u32 @!p1 s10, $0xC  }
0x16: {  	s15 =	sshll.u32 @!p1 s9, $0x7;
	s13 =	sshll.u32 @!p1 s13, $0xE;
	s14 =	sadd.s32 @!p1 s2, s14  }
0x17: {  	s13 =	sand.u32 @!p1 $0x4000, s13;
	s14 =	sadd.s32 @!p1 s15, s14;
	s15 =	simm.s32 @!p1 $0x0  }
0x18: {  	[tilespmem:s13], [sflag:$0x1] =	stream.linear.gather @!p1 [hbm4b:s14+s15], $0x4000, $0x38;
	[tilespmem:$0x10000] =	vst v63  }
0x19: {  	p1 =	seq.s32 s8, $0x0  }
0x1a: {  	p2 =	seq.s32 @!p1 s8, $0x81  }
0x1b: {  	p1 =	por p1, p2  }
.Ltmp2:
0x1c: {  	_ = 	snop;
	(pc) =	sbr.rel @p1 .LBB1_7-.Ltmp2, $1  }
0x1d: {  	_ =	sdelay $0x3  }
0x1e: {  	s13 =	simm.s32 $0x1;
	_ =	swait.ge [sflag:s4], $0x4000;
	s16 =	sshll.u32 s8, $0xE  }
0x1f: {  	s13 =	simm.s32 @!p0 $0x0;
	[sflag:s4] =	ssyncset.done $0x0;
	s31 =	sand.u32 $0x4000, s16  }
0x20: {  	s16 =	simm.s32 $0x0;
	s14 =	sshll.u32 s13, $0xE;
	[sflag:s4] =	ssyncadd.s32 $0xFFFFC000  }
0x21: {  	s13 =	sor.u32 $0x8040, s14;
	s15 =	sor.u32 $0x40, s14;
	s14 =	sor.u32 $0x8000, s31  }
.LBB1_3:
0x22: {  	v0 =	vmov s15;
	_ =	sdelay $0x3  }
0x23: {  	s18 =	simm.s32 $0x0  }
0x24: {  	v6 =	vld.idx.msk [tilespmem:v0+s18+$0x30 ss:$0x1], $0xffff  }
0x25: {  	v7 =	vld.idx.msk [tilespmem:v0+s18+$0xFFFFFFC0 ss:$0x1], $0xffff  }
0x26: {  	v5 =	vld.idx.msk [tilespmem:v0+s18+$0xFFFFFFD0 ss:$0x1], $0xffff  }
0x27: {  	v4 =	vld.idx.msk [tilespmem:v0+s18+$0xFFFFFFE0 ss:$0x1], $0xffff  }
0x28: {  	v3 =	vld.idx.msk [tilespmem:v0+s18+$0xFFFFFFF0 ss:$0x1], $0xffff  }
0x29: {  	v1 =	vld.idx.msk [tilespmem:v0+s18+$0x0 ss:$0x1], $0xffff  }
0x2a: {  	v2 =	vld.idx.msk [tilespmem:v0+s18+$0x10 ss:$0x1], $0xffff;
	[tilespmem:s13+$0x30] =	vst v6  }
0x2b: {  	s17 =	simm.s32 $0x80;
	s19 =	simm.s32 $0x400;
	[tilespmem:s13+$0xFFFFFFC0] =	vst v7;
	v6 =	vld.idx.msk [tilespmem:v0+s18+$0x20 ss:$0x1], $0xffff;
	s18 =	smov.u32 s13  }
.LBB1_4:
0x2c: {  	p1 =	sne.s32 s19, $0xE00;
	v7 =	vld.idx.msk [tilespmem:v0+s17+$0x30 ss:$0x1], $0xffff;
	[tilespmem:s18+$0xFFFFFFD0] =	vst v5  }
0x2d: {  	v8 =	vld.idx.msk [tilespmem:v0+s17+$0xFFFFFFC0 ss:$0x1], $0xffff;
	[tilespmem:s18+$0xFFFFFFE0] =	vst v4  }
0x2e: {  	v5 =	vld.idx.msk [tilespmem:v0+s17+$0xFFFFFFD0 ss:$0x1], $0xffff;
	[tilespmem:s18+$0xFFFFFFF0] =	vst v3  }
.Ltmp3:
0x2f: {  	v4 =	vld.idx.msk [tilespmem:v0+s17+$0xFFFFFFE0 ss:$0x1], $0xffff;
	[tilespmem:s18+$0x0] =	vst v1;
	(pc) =	sbr.rel @p1 .LBB1_4-.Ltmp3, $4  }
0x30: {  	v3 =	vld.idx.msk [tilespmem:v0+s17+$0xFFFFFFF0 ss:$0x1], $0xffff;
	[tilespmem:s18+$0x10] =	vst v2  }
0x31: {  	v1 =	vld.idx.msk [tilespmem:v0+s17+$0x0 ss:$0x1], $0xffff;
	[tilespmem:s18+$0x20] =	vst v6;
	s18 =	sadd.s32 $0x800, s18  }
0x32: {  	v2 =	vld.idx.msk [tilespmem:v0+s17+$0x10 ss:$0x1], $0xffff;
	[tilespmem:s18+$0x30] =	vst v7  }
0x33: {  	[tilespmem:s18+$0xFFFFFFC0] =	vst v8;
	v6 =	vld.idx.msk [tilespmem:v0+s17+$0x20 ss:$0x1], $0xffff;
	s17 =	sshra.s32 s19, $0x2;
	s19 =	sadd.s32 $0x200, s19  }
0x34: {  	_ =	sdelay $0x2  }
0x35: {  	[tilespmem:s18+$0xFFFFFFD0] =	vst v5  }
0x36: {  	v56 =	vld.idx.msk [tilespmem:v0+s17+$0x30 ss:$0x1], $0xffff;
	[tilespmem:s18+$0xFFFFFFE0] =	vst v4  }
0x37: {  	v57 =	vld.idx.msk [tilespmem:v0+s17+$0xFFFFFFC0 ss:$0x1], $0xffff;
	[tilespmem:s18+$0xFFFFFFF0] =	vst v3  }
0x38: {  	v58 =	vld.idx.msk [tilespmem:v0+s17+$0xFFFFFFD0 ss:$0x1], $0xffff;
	[tilespmem:s18+$0x0] =	vst v1  }
0x39: {  	v59 =	vld.idx.msk [tilespmem:v0+s17+$0xFFFFFFE0 ss:$0x1], $0xffff;
	[tilespmem:s18+$0x10] =	vst v2  }
0x3a: {  	v60 =	vld.idx.msk [tilespmem:v0+s17+$0xFFFFFFF0 ss:$0x1], $0xffff;
	s31 =	sadd.s32 $0x800, s18;
	[tilespmem:s18+$0x20] =	vst v6  }
0x3b: {  	v61 =	vld.idx.msk [tilespmem:v0+s17+$0x0 ss:$0x1], $0xffff;
	[tilespmem:s31+$0x30] =	vst v56  }
0x3c: {  	v62 =	vld.idx.msk [tilespmem:v0+s17+$0x10 ss:$0x1], $0xffff;
	s16 =	sadd.s32 $0x1, s16;
	[tilespmem:s31+$0xFFFFFFC0] =	vst v57  }
0x3d: {  	v63 =	vld.idx.msk [tilespmem:v0+s17+$0x20 ss:$0x1], $0xffff;
	p1 =	sne.s32 s16, $0x10;
	[tilespmem:s31+$0xFFFFFFD0] =	vst v58  }
.Ltmp4:
0x3e: {  	[tilespmem:s31+$0xFFFFFFE0] =	vst v59;
	(pc) =	sbr.rel @p1 .LBB1_3-.Ltmp4, $4  }
0x3f: {  	[tilespmem:s31+$0xFFFFFFF0] =	vst v60  }
0x40: {  	[tilespmem:s31+$0x0] =	vst v61  }
0x41: {  	[tilespmem:s31+$0x10] =	vst v62  }
0x42: {  	s13 =	sadd.s32 $0x80, s13;
	s15 =	sadd.s32 $0x400, s15;
	[tilespmem:s31+$0x20] =	vst v63  }
.Ltmp5:
0x43: {  	(pc) =	sbr.rel .LBB1_7-.Ltmp5, $4  }
0x44: {  	s12 =	sshll.u32 s12, $0xC;
	s11 =	sshll.u32 s11, $0x4  }
0x45: {  	s11 =	sand.u32 $0x1F0, s11;
	s12 =	sadd.s32 s3, s12  }
0x46: {  	s11 =	sadd.s32 s11, s12  }
0x47: {  	[hbm4b:s11+s6] =	stream.strided.scatter [tilespmem:s14], [sflag:$0x2], $0x4000, s7, s6, $0x38;
	[tilespmem:$0x10000] =	vst v63  }
.LBB1_8:
0x48: {  	_ =	sfence.sel $0x180000  }
0x49: {  	s2 =	simm.s32 $0x1;
	[bflag:$0x0] =	sbarrier.arrive $0xFFFF  }
0x4a: {  	s31 =	simm.s32 $0x2;
	[sflag:s2] =	ssyncpa.u1 $0x1  }
0x4b: {  	[sflag:s31] =	ssyncpa.u1 $0x1  }
0x4c: {  	p0 =	sne.s32 s1, $0x0;
	_ =	strace $0x90000047  }
0x4d: {  	s0 =	sadd.s32 @!p0 $0x100000, s0;
	[bflag:$0x2] =	sbarrier.arrive $0xFFFF  }
0x4e: {  	[sflag:s0] =	ssyncadd.tile.s32 @!p0 $0x1;
	_ =	shalt  }
.Lfunc_end1:
_tile_overlayer_lowered:
.L_overlay_start_2:
0x4f: {  	(tag) =	ssettag $0x2  }
0x50: {  	s0 =	rddreg [dreg:$0x0];
	s2 =	stileid.u32  }
0x51: {  	s1 =	rddreg [dreg:$0x1];
	p0 =	sne.s32 s2, $0x0  }
0x52: {  	s3 =	rddreg [dreg:$0x2];
	[bflag:$0x3] =	sbarrier.arrive $0xFFFF;
	s2 =	simm.s32 @!p0 $0x1C01  }
0x53: {  	[timem:s3], [sflag:s2] =	dma.local @!p0 [hbm:s0], s1  }
0x54: {  	s0 =	simm.s32 @!p0 $0x1  }
0x55: {  	_ =	swait.ge @!p0 [sflag:s0], s1  }
0x56: {  	s1 =	ssub.s32 @!p0 $0x0, s1;
	[sflag:s0] =	ssyncset.done @!p0 $0x0  }
0x57: {  	[sflag:s0] =	ssyncadd.s32 @!p0 s1  }
0x58: {  	[bflag:$0x3] =	sbarrier.arrive $0xFFFF  }
0x59: {  	_ =	shalt  }

</sc_bundles>
